<compile_context>
chip_gen: v7x
topology: tpu7x:2x2x1
jax: 0.10.2.dev20260603
libtpu: 0.0.44.dev20260713+nightly
codegen_flags: <defaults>
</compile_context>

<pallas_src>
import functools

import jax
import jax.numpy as jnp
from jax import lax
from jax.experimental import pallas as pl
from jax.experimental.pallas import tpu as pltpu
from jax.experimental.pallas import tpu_sc as plsc

_NUM_IN = 20
_NUM_OUT = 64
_BATCH = 16384
_NW = 32
_BPW = _BATCH // _NW
_GRP = 16
_NGRP = _BPW // _GRP
_ELEMS = _BPW * _NUM_OUT
_ROW = 128


def _sc_body(x_hbm, lut_hbm, out_hbm, xv, idxl, dst,
             sg0, sg1, sg2, sg3, so):
    wid = lax.axis_index("s") * 2 + lax.axis_index("c")
    for rb in range(3):
        pltpu.sync_copy(
            x_hbm.at[pl.ds((rb * 128 + 4 * wid) * 1024, 4096)],
            xv.at[pl.ds(rb * 4096, 4096)])

    def grp(g, carry):
        q = g >> 3
        col = (g & 7) * _GRP
        acc = jnp.zeros((_GRP,), jnp.int32)
        for i in range(_NUM_IN):
            v = xv[pl.ds((i // 8) * 4096 + q * 1024 + (i % 8) * 128 + col,
                         _GRP)]
            acc = acc + jnp.where(v > 0.0, jnp.int32(1 << i), jnp.int32(0))
        addr0 = ((acc >> 7) << 10) + (acc & 127)
        def cexp(cb8, carry2):
            pos = (q * 64 + cb8 * 8) * _ROW + col
            a = addr0 + cb8 * 8388608
            for cr in range(8):
                idxl[pl.ds(pos + cr * _ROW, _GRP)] = a + cr * 128
            return carry2

        lax.fori_loop(0, 8, cexp, 0)

        sgs = (sg0, sg1, sg2, sg3)
        for qq in range(4):

            @pl.when(g == qq * 8 + 7)
            def _fire(qq=qq):
                pltpu.async_copy(
                    lut_hbm.at[idxl.at[pl.ds(qq * 8192, 8192)]],
                    dst.at[pl.ds(qq * 8192, 8192)], sgs[qq])

        return carry

    lax.fori_loop(0, _NGRP, grp, 0)
    for q, sg in enumerate((sg0, sg1, sg2, sg3)):
        pltpu.make_async_copy(lut_hbm.at[pl.ds(0, 8192)],
                              dst.at[pl.ds(q * 8192, 8192)], sg).wait()
        for cb8 in range(8):
            pltpu.async_copy(
                dst.at[pl.ds((q * 8 + cb8) * 1024, 1024)],
                out_hbm.at[pl.ds(cb8 * 131072 + (4 * wid + q) * 1024,
                                 1024)], so)
    pltpu.make_async_copy(dst, out_hbm.at[pl.ds(0, _ELEMS)], so).wait()


@functools.partial(jax.jit, static_argnames=())
def kernel(x, lut):
    mesh = plsc.VectorSubcoreMesh(core_axis_name="c", subcore_axis_name="s")
    run = pl.kernel(
        _sc_body,
        out_type=jax.ShapeDtypeStruct((_BATCH * _NUM_OUT,), jnp.float32),
        mesh=mesh,
        scratch_types=(
            pltpu.VMEM((3 * 4096,), jnp.float32),
            pltpu.VMEM((_ELEMS,), jnp.int32),
            pltpu.VMEM((_ELEMS,), jnp.float32),
            pltpu.SemaphoreType.DMA,
            pltpu.SemaphoreType.DMA,
            pltpu.SemaphoreType.DMA,
            pltpu.SemaphoreType.DMA,
            pltpu.SemaphoreType.DMA,
        ),
        compiler_params=pltpu.CompilerParams(
            needs_layout_passes=False, use_tc_tiling_on_sc=False),
    )
    lut_flat = (
        lut.T.reshape(8, 8, 8192, 128).transpose(0, 2, 1, 3).reshape(-1)
    )
    xp = jnp.concatenate(
        [x, jnp.zeros((_BATCH, 24 - _NUM_IN), jnp.float32)], axis=1)
    x_flat = xp.T.reshape(3, 8, 128, 128).transpose(0, 2, 1, 3).reshape(-1)
    out = run(x_flat, lut_flat)
    return out.reshape(8, 128, 8, 128).transpose(0, 2, 1, 3).reshape(
        _NUM_OUT, _BATCH).T

# --- scband reference (transcript-rebuilt; emitter-appended) ---
"""Pipeline reference for scband-orbital-lut-33380485824794 (READ-ONLY COPY).

The authoritative reference and input builder live on the scoring server;
editing this copy changes nothing except your own understanding.
"""

import jax, jax.numpy as jnp
import numpy as np

NUM_IN = 20
DIM_VALS_IN = 2
NUM_OUT = 64
BATCH = 16384


def setup_inputs(seed: int = 0) -> dict:
    key = jax.random.key(seed)
    k1, k2 = jax.random.split(key)
    x = jax.random.normal(k1, (BATCH, NUM_IN), dtype=jnp.float32)
    lut = jax.random.normal(k2, (DIM_VALS_IN ** NUM_IN, NUM_OUT), dtype=jnp.float32)
    return {"x": x, "lut": lut}


def reference(x, lut):
    # _state2idx: ((s > 0).long() * basis).sum(-1) with basis = dim_vals_in**n
    basis = (DIM_VALS_IN ** jnp.arange(NUM_IN)).astype(jnp.int64)
    idx = ((x > 0).astype(jnp.int64) * basis[: x.shape[-1]]).sum(-1)
    out = jnp.take(lut, idx, axis=0)
    # out_activation is falsy (False) -> no activation applied
    return out

if __name__ == "__main__":
    import jax
    _d = setup_inputs()
    print(jax.jit(kernel)(*tuple(_d.values())))

</pallas_src>

<mosaic_0001>
#map = affine_map<(d0, d1) -> (0)>
module attributes {stable_mosaic.version = 14 : i64} {
  func.func @_sc_body(%arg0: i32, %arg1: i32, %arg2: memref<393216xf32, #tpu.memory_space<hbm>>, %arg3: memref<67108864xf32, #tpu.memory_space<hbm>>, %arg4: memref<1048576xf32, #tpu.memory_space<hbm>>, %arg5: memref<12288xf32, #tpu.memory_space<vmem>>, %arg6: memref<32768xi32, #tpu.memory_space<vmem>>, %arg7: memref<32768xf32, #tpu.memory_space<vmem>>, %arg8: memref<!tpu.dma_semaphore, #tpu.memory_space<semaphore_mem>>, %arg9: memref<!tpu.dma_semaphore, #tpu.memory_space<semaphore_mem>>, %arg10: memref<!tpu.dma_semaphore, #tpu.memory_space<semaphore_mem>>, %arg11: memref<!tpu.dma_semaphore, #tpu.memory_space<semaphore_mem>>, %arg12: memref<!tpu.dma_semaphore, #tpu.memory_space<semaphore_mem>>) attributes {dimension_semantics = [#tpu.dimension_semantics<core_parallel>, #tpu.dimension_semantics<subcore_parallel>], iteration_bounds = array<i64: 2, 16>, scalar_prefetch = 0 : i64, scratch_operands = 8 : i64, tpu.core_type = #tpu.core_type<sc_vector_subcore>, window_params = [{transform_indices = #map}, {transform_indices = #map}, {transform_indices = #map}]} {
    %mul3A = arith.constant 2 : i32
    %mul3A_0 = arith.muli %arg1, %mul3A : i32
    %add3A = arith.addi %mul3A_0, %arg0 : i32
    %mul3A_1 = arith.constant 4 : i32
    %mul3A_2 = arith.muli %mul3A_1, %add3A : i32
    %add3A_3 = arith.constant 0 : i32
    %add3A_4 = arith.addi %add3A_3, %mul3A_2 : i32
    %mul3A_5 = arith.constant 1024 : i32
    %mul3A_6 = arith.muli %add3A_4, %mul3A_5 : i32
    "tpu.region"() ({
      %run_scoped3A = tpu.sem_alloc : memref<!tpu.dma_semaphore, #tpu.memory_space<semaphore_mem>>
      %dma_start3A_506 = arith.constant 0 : i32
      %dma_start3A_507 = tpu.memref_slice %arg5[%dma_start3A_506] : memref<12288xf32, #tpu.memory_space<vmem>> -> memref<4096xf32, #tpu.memory_space<vmem>>
      %dma_start3A_508 = tpu.memref_slice %arg2[%mul3A_6] : memref<393216xf32, #tpu.memory_space<hbm>> -> memref<4096xf32, #tpu.memory_space<hbm>>
      %dma_start3A_509 = arith.constant 0 : i32
      %dma_start3A_510 = tpu.memref_slice %arg5[%dma_start3A_509] : memref<12288xf32, #tpu.memory_space<vmem>> -> memref<4096xf32, #tpu.memory_space<vmem>>
      %dma_start3A_511 = tpu.memref_slice %arg2[%mul3A_6] : memref<393216xf32, #tpu.memory_space<hbm>> -> memref<4096xf32, #tpu.memory_space<hbm>>
      tpu.enqueue_dma source(%dma_start3A_511 : memref<4096xf32, #tpu.memory_space<hbm>>) target(%dma_start3A_510 : memref<4096xf32, #tpu.memory_space<vmem>>) target_semaphore(%run_scoped3A : memref<!tpu.dma_semaphore, #tpu.memory_space<semaphore_mem>>)
      %dma_wait3A_512 = arith.constant 0 : i32
      %dma_wait3A_513 = tpu.memref_slice %arg5[%dma_wait3A_512] : memref<12288xf32, #tpu.memory_space<vmem>> -> memref<4096xf32, #tpu.memory_space<vmem>>
      %dma_wait3A_514 = tpu.memref_slice %arg2[%mul3A_6] : memref<393216xf32, #tpu.memory_space<hbm>> -> memref<4096xf32, #tpu.memory_space<hbm>>
      %dma_wait3A_515 = arith.constant 0 : i32
      %dma_wait3A_516 = tpu.memref_slice %arg5[%dma_wait3A_515] : memref<12288xf32, #tpu.memory_space<vmem>> -> memref<4096xf32, #tpu.memory_space<vmem>>
      %dma_wait3A_517 = tpu.memref_slice %arg2[%mul3A_6] : memref<393216xf32, #tpu.memory_space<hbm>> -> memref<4096xf32, #tpu.memory_space<hbm>>
      tpu.wait_dma2 semaphore(%run_scoped3A : memref<!tpu.dma_semaphore, #tpu.memory_space<semaphore_mem>>) src(%dma_wait3A_517 : memref<4096xf32, #tpu.memory_space<hbm>>) dst(%dma_wait3A_516 : memref<4096xf32, #tpu.memory_space<vmem>>)
      tpu.yield
    }) : () -> ()
    %mul3A_7 = arith.constant 4 : i32
    %mul3A_8 = arith.muli %mul3A_7, %add3A : i32
    %add3A_9 = arith.constant 128 : i32
    %add3A_10 = arith.addi %add3A_9, %mul3A_8 : i32
    %mul3A_11 = arith.constant 1024 : i32
    %mul3A_12 = arith.muli %add3A_10, %mul3A_11 : i32
    "tpu.region"() ({
      %run_scoped3A = tpu.sem_alloc : memref<!tpu.dma_semaphore, #tpu.memory_space<semaphore_mem>>
      %dma_start3A_506 = arith.constant 4096 : i32
      %dma_start3A_507 = tpu.memref_slice %arg5[%dma_start3A_506] : memref<12288xf32, #tpu.memory_space<vmem>> -> memref<4096xf32, #tpu.memory_space<vmem>>
      %dma_start3A_508 = tpu.memref_slice %arg2[%mul3A_12] : memref<393216xf32, #tpu.memory_space<hbm>> -> memref<4096xf32, #tpu.memory_space<hbm>>
      %dma_start3A_509 = arith.constant 4096 : i32
      %dma_start3A_510 = tpu.memref_slice %arg5[%dma_start3A_509] : memref<12288xf32, #tpu.memory_space<vmem>> -> memref<4096xf32, #tpu.memory_space<vmem>>
      %dma_start3A_511 = tpu.memref_slice %arg2[%mul3A_12] : memref<393216xf32, #tpu.memory_space<hbm>> -> memref<4096xf32, #tpu.memory_space<hbm>>
      tpu.enqueue_dma source(%dma_start3A_511 : memref<4096xf32, #tpu.memory_space<hbm>>) target(%dma_start3A_510 : memref<4096xf32, #tpu.memory_space<vmem>>) target_semaphore(%run_scoped3A : memref<!tpu.dma_semaphore, #tpu.memory_space<semaphore_mem>>)
      %dma_wait3A_512 = arith.constant 4096 : i32
      %dma_wait3A_513 = tpu.memref_slice %arg5[%dma_wait3A_512] : memref<12288xf32, #tpu.memory_space<vmem>> -> memref<4096xf32, #tpu.memory_space<vmem>>
      %dma_wait3A_514 = tpu.memref_slice %arg2[%mul3A_12] : memref<393216xf32, #tpu.memory_space<hbm>> -> memref<4096xf32, #tpu.memory_space<hbm>>
      %dma_wait3A_515 = arith.constant 4096 : i32
      %dma_wait3A_516 = tpu.memref_slice %arg5[%dma_wait3A_515] : memref<12288xf32, #tpu.memory_space<vmem>> -> memref<4096xf32, #tpu.memory_space<vmem>>
      %dma_wait3A_517 = tpu.memref_slice %arg2[%mul3A_12] : memref<393216xf32, #tpu.memory_space<hbm>> -> memref<4096xf32, #tpu.memory_space<hbm>>
      tpu.wait_dma2 semaphore(%run_scoped3A : memref<!tpu.dma_semaphore, #tpu.memory_space<semaphore_mem>>) src(%dma_wait3A_517 : memref<4096xf32, #tpu.memory_space<hbm>>) dst(%dma_wait3A_516 : memref<4096xf32, #tpu.memory_space<vmem>>)
      tpu.yield
    }) : () -> ()
    %mul3A_13 = arith.constant 4 : i32
    %mul3A_14 = arith.muli %mul3A_13, %add3A : i32
    %add3A_15 = arith.constant 256 : i32
    %add3A_16 = arith.addi %add3A_15, %mul3A_14 : i32
    %mul3A_17 = arith.constant 1024 : i32
    %mul3A_18 = arith.muli %add3A_16, %mul3A_17 : i32
    "tpu.region"() ({
      %run_scoped3A = tpu.sem_alloc : memref<!tpu.dma_semaphore, #tpu.memory_space<semaphore_mem>>
      %dma_start3A_506 = arith.constant 8192 : i32
      %dma_start3A_507 = tpu.memref_slice %arg5[%dma_start3A_506] : memref<12288xf32, #tpu.memory_space<vmem>> -> memref<4096xf32, #tpu.memory_space<vmem>>
      %dma_start3A_508 = tpu.memref_slice %arg2[%mul3A_18] : memref<393216xf32, #tpu.memory_space<hbm>> -> memref<4096xf32, #tpu.memory_space<hbm>>
      %dma_start3A_509 = arith.constant 8192 : i32
      %dma_start3A_510 = tpu.memref_slice %arg5[%dma_start3A_509] : memref<12288xf32, #tpu.memory_space<vmem>> -> memref<4096xf32, #tpu.memory_space<vmem>>
      %dma_start3A_511 = tpu.memref_slice %arg2[%mul3A_18] : memref<393216xf32, #tpu.memory_space<hbm>> -> memref<4096xf32, #tpu.memory_space<hbm>>
      tpu.enqueue_dma source(%dma_start3A_511 : memref<4096xf32, #tpu.memory_space<hbm>>) target(%dma_start3A_510 : memref<4096xf32, #tpu.memory_space<vmem>>) target_semaphore(%run_scoped3A : memref<!tpu.dma_semaphore, #tpu.memory_space<semaphore_mem>>)
      %dma_wait3A_512 = arith.constant 8192 : i32
      %dma_wait3A_513 = tpu.memref_slice %arg5[%dma_wait3A_512] : memref<12288xf32, #tpu.memory_space<vmem>> -> memref<4096xf32, #tpu.memory_space<vmem>>
      %dma_wait3A_514 = tpu.memref_slice %arg2[%mul3A_18] : memref<393216xf32, #tpu.memory_space<hbm>> -> memref<4096xf32, #tpu.memory_space<hbm>>
      %dma_wait3A_515 = arith.constant 8192 : i32
      %dma_wait3A_516 = tpu.memref_slice %arg5[%dma_wait3A_515] : memref<12288xf32, #tpu.memory_space<vmem>> -> memref<4096xf32, #tpu.memory_space<vmem>>
      %dma_wait3A_517 = tpu.memref_slice %arg2[%mul3A_18] : memref<393216xf32, #tpu.memory_space<hbm>> -> memref<4096xf32, #tpu.memory_space<hbm>>
      tpu.wait_dma2 semaphore(%run_scoped3A : memref<!tpu.dma_semaphore, #tpu.memory_space<semaphore_mem>>) src(%dma_wait3A_517 : memref<4096xf32, #tpu.memory_space<hbm>>) dst(%dma_wait3A_516 : memref<4096xf32, #tpu.memory_space<vmem>>)
      tpu.yield
    }) : () -> ()
    %scan3A = arith.constant 0 : i32
    %scan3A_19 = arith.constant 0 : i32
    %scan3A_20 = arith.constant 32 : i32
    %scan3A_21 = arith.addi %scan3A_19, %scan3A_20 : i32
    %scan3A_22 = arith.constant 1 : i32
    scf.for %scan3A_506 = %scan3A_19 to %scan3A_21 step %scan3A_22  : i32 {
      %shift_right_arithmetic3A = arith.constant 3 : i32
      %shift_right_arithmetic3A_507 = arith.shrsi %scan3A_506, %shift_right_arithmetic3A : i32
      %and3A = arith.constant 7 : i32
      %and3A_508 = arith.andi %scan3A_506, %and3A : i32
      %mul3A_509 = arith.constant 16 : i32
      %mul3A_510 = arith.muli %and3A_508, %mul3A_509 : i32
      %broadcast_in_dim3A = arith.constant 0 : i32
      %broadcast_in_dim3A_511 = vector.broadcast %broadcast_in_dim3A : i32 to vector<16xi32>
      %mul3A_512 = arith.constant 1024 : i32
      %mul3A_513 = arith.muli %shift_right_arithmetic3A_507, %mul3A_512 : i32
      %add3A_514 = arith.constant 0 : i32
      %add3A_515 = arith.addi %add3A_514, %mul3A_513 : i32
      %add3A_516 = arith.constant 0 : i32
      %add3A_517 = arith.addi %add3A_515, %add3A_516 : i32
      %add3A_518 = arith.addi %add3A_517, %mul3A_510 : i32
      %get3A = arith.index_cast %add3A_518 : i32 to index
      %get3A_519 = tpu.vector_load %arg5[%get3A] {strides = array<i32>} : memref<12288xf32, #tpu.memory_space<vmem>>, vector<16xf32>,
      %gt3A = arith.constant 0.000000e+00 : f32
      %gt3A_520 = vector.broadcast %gt3A : f32 to vector<16xf32>
      %gt3A_521 = arith.cmpf ogt, %get3A_519, %gt3A_520 : vector<16xf32>
      %jit3A = arith.constant 1 : i32
      %jit3A_522 = arith.constant 0 : i32
      %broadcast_in_dim3A_523 = vector.broadcast %jit3A : i32 to vector<16xi32>
      %broadcast_in_dim3A_524 = vector.broadcast %jit3A_522 : i32 to vector<16xi32>
      %select_n3A = arith.select %gt3A_521, %broadcast_in_dim3A_523, %broadcast_in_dim3A_524 : vector<16xi1>, vector<16xi32>
      %add3A_525 = arith.addi %broadcast_in_dim3A_511, %select_n3A : vector<16xi32>
      %mul3A_526 = arith.constant 1024 : i32
      %mul3A_527 = arith.muli %shift_right_arithmetic3A_507, %mul3A_526 : i32
      %add3A_528 = arith.constant 0 : i32
      %add3A_529 = arith.addi %add3A_528, %mul3A_527 : i32
      %add3A_530 = arith.constant 128 : i32
      %add3A_531 = arith.addi %add3A_529, %add3A_530 : i32
      %add3A_532 = arith.addi %add3A_531, %mul3A_510 : i32
      %get3A_533 = arith.index_cast %add3A_532 : i32 to index
      %get3A_534 = tpu.vector_load %arg5[%get3A_533] {strides = array<i32>} : memref<12288xf32, #tpu.memory_space<vmem>>, vector<16xf32>,
      %gt3A_535 = arith.constant 0.000000e+00 : f32
      %gt3A_536 = vector.broadcast %gt3A_535 : f32 to vector<16xf32>
      %gt3A_537 = arith.cmpf ogt, %get3A_534, %gt3A_536 : vector<16xf32>
      %jit3A_538 = arith.constant 2 : i32
      %jit3A_539 = arith.constant 0 : i32
      %broadcast_in_dim3A_540 = vector.broadcast %jit3A_538 : i32 to vector<16xi32>
      %broadcast_in_dim3A_541 = vector.broadcast %jit3A_539 : i32 to vector<16xi32>
      %select_n3A_542 = arith.select %gt3A_537, %broadcast_in_dim3A_540, %broadcast_in_dim3A_541 : vector<16xi1>, vector<16xi32>
      %add3A_543 = arith.addi %add3A_525, %select_n3A_542 : vector<16xi32>
      %mul3A_544 = arith.constant 1024 : i32
      %mul3A_545 = arith.muli %shift_right_arithmetic3A_507, %mul3A_544 : i32
      %add3A_546 = arith.constant 0 : i32
      %add3A_547 = arith.addi %add3A_546, %mul3A_545 : i32
      %add3A_548 = arith.constant 256 : i32
      %add3A_549 = arith.addi %add3A_547, %add3A_548 : i32
      %add3A_550 = arith.addi %add3A_549, %mul3A_510 : i32
      %get3A_551 = arith.index_cast %add3A_550 : i32 to index
      %get3A_552 = tpu.vector_load %arg5[%get3A_551] {strides = array<i32>} : memref<12288xf32, #tpu.memory_space<vmem>>, vector<16xf32>,
      %gt3A_553 = arith.constant 0.000000e+00 : f32
      %gt3A_554 = vector.broadcast %gt3A_553 : f32 to vector<16xf32>
      %gt3A_555 = arith.cmpf ogt, %get3A_552, %gt3A_554 : vector<16xf32>
      %jit3A_556 = arith.constant 4 : i32
      %jit3A_557 = arith.constant 0 : i32
      %broadcast_in_dim3A_558 = vector.broadcast %jit3A_556 : i32 to vector<16xi32>
      %broadcast_in_dim3A_559 = vector.broadcast %jit3A_557 : i32 to vector<16xi32>
      %select_n3A_560 = arith.select %gt3A_555, %broadcast_in_dim3A_558, %broadcast_in_dim3A_559 : vector<16xi1>, vector<16xi32>
      %add3A_561 = arith.addi %add3A_543, %select_n3A_560 : vector<16xi32>
      %mul3A_562 = arith.constant 1024 : i32
      %mul3A_563 = arith.muli %shift_right_arithmetic3A_507, %mul3A_562 : i32
      %add3A_564 = arith.constant 0 : i32
      %add3A_565 = arith.addi %add3A_564, %mul3A_563 : i32
      %add3A_566 = arith.constant 384 : i32
      %add3A_567 = arith.addi %add3A_565, %add3A_566 : i32
      %add3A_568 = arith.addi %add3A_567, %mul3A_510 : i32
      %get3A_569 = arith.index_cast %add3A_568 : i32 to index
      %get3A_570 = tpu.vector_load %arg5[%get3A_569] {strides = array<i32>} : memref<12288xf32, #tpu.memory_space<vmem>>, vector<16xf32>,
      %gt3A_571 = arith.constant 0.000000e+00 : f32
      %gt3A_572 = vector.broadcast %gt3A_571 : f32 to vector<16xf32>
      %gt3A_573 = arith.cmpf ogt, %get3A_570, %gt3A_572 : vector<16xf32>
      %jit3A_574 = arith.constant 8 : i32
      %jit3A_575 = arith.constant 0 : i32
      %broadcast_in_dim3A_576 = vector.broadcast %jit3A_574 : i32 to vector<16xi32>
      %broadcast_in_dim3A_577 = vector.broadcast %jit3A_575 : i32 to vector<16xi32>
      %select_n3A_578 = arith.select %gt3A_573, %broadcast_in_dim3A_576, %broadcast_in_dim3A_577 : vector<16xi1>, vector<16xi32>
      %add3A_579 = arith.addi %add3A_561, %select_n3A_578 : vector<16xi32>
      %mul3A_580 = arith.constant 1024 : i32
      %mul3A_581 = arith.muli %shift_right_arithmetic3A_507, %mul3A_580 : i32
      %add3A_582 = arith.constant 0 : i32
      %add3A_583 = arith.addi %add3A_582, %mul3A_581 : i32
      %add3A_584 = arith.constant 512 : i32
      %add3A_585 = arith.addi %add3A_583, %add3A_584 : i32
      %add3A_586 = arith.addi %add3A_585, %mul3A_510 : i32
      %get3A_587 = arith.index_cast %add3A_586 : i32 to index
      %get3A_588 = tpu.vector_load %arg5[%get3A_587] {strides = array<i32>} : memref<12288xf32, #tpu.memory_space<vmem>>, vector<16xf32>,
      %gt3A_589 = arith.constant 0.000000e+00 : f32
      %gt3A_590 = vector.broadcast %gt3A_589 : f32 to vector<16xf32>
      %gt3A_591 = arith.cmpf ogt, %get3A_588, %gt3A_590 : vector<16xf32>
      %jit3A_592 = arith.constant 16 : i32
      %jit3A_593 = arith.constant 0 : i32
      %broadcast_in_dim3A_594 = vector.broadcast %jit3A_592 : i32 to vector<16xi32>
      %broadcast_in_dim3A_595 = vector.broadcast %jit3A_593 : i32 to vector<16xi32>
      %select_n3A_596 = arith.select %gt3A_591, %broadcast_in_dim3A_594, %broadcast_in_dim3A_595 : vector<16xi1>, vector<16xi32>
      %add3A_597 = arith.addi %add3A_579, %select_n3A_596 : vector<16xi32>
      %mul3A_598 = arith.constant 1024 : i32
      %mul3A_599 = arith.muli %shift_right_arithmetic3A_507, %mul3A_598 : i32
      %add3A_600 = arith.constant 0 : i32
      %add3A_601 = arith.addi %add3A_600, %mul3A_599 : i32
      %add3A_602 = arith.constant 640 : i32
      %add3A_603 = arith.addi %add3A_601, %add3A_602 : i32
      %add3A_604 = arith.addi %add3A_603, %mul3A_510 : i32
      %get3A_605 = arith.index_cast %add3A_604 : i32 to index
      %get3A_606 = tpu.vector_load %arg5[%get3A_605] {strides = array<i32>} : memref<12288xf32, #tpu.memory_space<vmem>>, vector<16xf32>,
      %gt3A_607 = arith.constant 0.000000e+00 : f32
      %gt3A_608 = vector.broadcast %gt3A_607 : f32 to vector<16xf32>
      %gt3A_609 = arith.cmpf ogt, %get3A_606, %gt3A_608 : vector<16xf32>
      %jit3A_610 = arith.constant 32 : i32
      %jit3A_611 = arith.constant 0 : i32
      %broadcast_in_dim3A_612 = vector.broadcast %jit3A_610 : i32 to vector<16xi32>
      %broadcast_in_dim3A_613 = vector.broadcast %jit3A_611 : i32 to vector<16xi32>
      %select_n3A_614 = arith.select %gt3A_609, %broadcast_in_dim3A_612, %broadcast_in_dim3A_613 : vector<16xi1>, vector<16xi32>
      %add3A_615 = arith.addi %add3A_597, %select_n3A_614 : vector<16xi32>
      %mul3A_616 = arith.constant 1024 : i32
      %mul3A_617 = arith.muli %shift_right_arithmetic3A_507, %mul3A_616 : i32
      %add3A_618 = arith.constant 0 : i32
      %add3A_619 = arith.addi %add3A_618, %mul3A_617 : i32
      %add3A_620 = arith.constant 768 : i32
      %add3A_621 = arith.addi %add3A_619, %add3A_620 : i32
      %add3A_622 = arith.addi %add3A_621, %mul3A_510 : i32
      %get3A_623 = arith.index_cast %add3A_622 : i32 to index
      %get3A_624 = tpu.vector_load %arg5[%get3A_623] {strides = array<i32>} : memref<12288xf32, #tpu.memory_space<vmem>>, vector<16xf32>,
      %gt3A_625 = arith.constant 0.000000e+00 : f32
      %gt3A_626 = vector.broadcast %gt3A_625 : f32 to vector<16xf32>
      %gt3A_627 = arith.cmpf ogt, %get3A_624, %gt3A_626 : vector<16xf32>
      %jit3A_628 = arith.constant 64 : i32
      %jit3A_629 = arith.constant 0 : i32
      %broadcast_in_dim3A_630 = vector.broadcast %jit3A_628 : i32 to vector<16xi32>
      %broadcast_in_dim3A_631 = vector.broadcast %jit3A_629 : i32 to vector<16xi32>
      %select_n3A_632 = arith.select %gt3A_627, %broadcast_in_dim3A_630, %broadcast_in_dim3A_631 : vector<16xi1>, vector<16xi32>
      %add3A_633 = arith.addi %add3A_615, %select_n3A_632 : vector<16xi32>
      %mul3A_634 = arith.constant 1024 : i32
      %mul3A_635 = arith.muli %shift_right_arithmetic3A_507, %mul3A_634 : i32
      %add3A_636 = arith.constant 0 : i32
      %add3A_637 = arith.addi %add3A_636, %mul3A_635 : i32
      %add3A_638 = arith.constant 896 : i32
      %add3A_639 = arith.addi %add3A_637, %add3A_638 : i32
      %add3A_640 = arith.addi %add3A_639, %mul3A_510 : i32
      %get3A_641 = arith.index_cast %add3A_640 : i32 to index
      %get3A_642 = tpu.vector_load %arg5[%get3A_641] {strides = array<i32>} : memref<12288xf32, #tpu.memory_space<vmem>>, vector<16xf32>,
      %gt3A_643 = arith.constant 0.000000e+00 : f32
      %gt3A_644 = vector.broadcast %gt3A_643 : f32 to vector<16xf32>
      %gt3A_645 = arith.cmpf ogt, %get3A_642, %gt3A_644 : vector<16xf32>
      %jit3A_646 = arith.constant 128 : i32
      %jit3A_647 = arith.constant 0 : i32
      %broadcast_in_dim3A_648 = vector.broadcast %jit3A_646 : i32 to vector<16xi32>
      %broadcast_in_dim3A_649 = vector.broadcast %jit3A_647 : i32 to vector<16xi32>
      %select_n3A_650 = arith.select %gt3A_645, %broadcast_in_dim3A_648, %broadcast_in_dim3A_649 : vector<16xi1>, vector<16xi32>
      %add3A_651 = arith.addi %add3A_633, %select_n3A_650 : vector<16xi32>
      %mul3A_652 = arith.constant 1024 : i32
      %mul3A_653 = arith.muli %shift_right_arithmetic3A_507, %mul3A_652 : i32
      %add3A_654 = arith.constant 4096 : i32
      %add3A_655 = arith.addi %add3A_654, %mul3A_653 : i32
      %add3A_656 = arith.constant 0 : i32
      %add3A_657 = arith.addi %add3A_655, %add3A_656 : i32
      %add3A_658 = arith.addi %add3A_657, %mul3A_510 : i32
      %get3A_659 = arith.index_cast %add3A_658 : i32 to index
      %get3A_660 = tpu.vector_load %arg5[%get3A_659] {strides = array<i32>} : memref<12288xf32, #tpu.memory_space<vmem>>, vector<16xf32>,
      %gt3A_661 = arith.constant 0.000000e+00 : f32
      %gt3A_662 = vector.broadcast %gt3A_661 : f32 to vector<16xf32>
      %gt3A_663 = arith.cmpf ogt, %get3A_660, %gt3A_662 : vector<16xf32>
      %jit3A_664 = arith.constant 256 : i32
      %jit3A_665 = arith.constant 0 : i32
      %broadcast_in_dim3A_666 = vector.broadcast %jit3A_664 : i32 to vector<16xi32>
      %broadcast_in_dim3A_667 = vector.broadcast %jit3A_665 : i32 to vector<16xi32>
      %select_n3A_668 = arith.select %gt3A_663, %broadcast_in_dim3A_666, %broadcast_in_dim3A_667 : vector<16xi1>, vector<16xi32>
      %add3A_669 = arith.addi %add3A_651, %select_n3A_668 : vector<16xi32>
      %mul3A_670 = arith.constant 1024 : i32
      %mul3A_671 = arith.muli %shift_right_arithmetic3A_507, %mul3A_670 : i32
      %add3A_672 = arith.constant 4096 : i32
      %add3A_673 = arith.addi %add3A_672, %mul3A_671 : i32
      %add3A_674 = arith.constant 128 : i32
      %add3A_675 = arith.addi %add3A_673, %add3A_674 : i32
      %add3A_676 = arith.addi %add3A_675, %mul3A_510 : i32
      %get3A_677 = arith.index_cast %add3A_676 : i32 to index
      %get3A_678 = tpu.vector_load %arg5[%get3A_677] {strides = array<i32>} : memref<12288xf32, #tpu.memory_space<vmem>>, vector<16xf32>,
      %gt3A_679 = arith.constant 0.000000e+00 : f32
      %gt3A_680 = vector.broadcast %gt3A_679 : f32 to vector<16xf32>
      %gt3A_681 = arith.cmpf ogt, %get3A_678, %gt3A_680 : vector<16xf32>
      %jit3A_682 = arith.constant 512 : i32
      %jit3A_683 = arith.constant 0 : i32
      %broadcast_in_dim3A_684 = vector.broadcast %jit3A_682 : i32 to vector<16xi32>
      %broadcast_in_dim3A_685 = vector.broadcast %jit3A_683 : i32 to vector<16xi32>
      %select_n3A_686 = arith.select %gt3A_681, %broadcast_in_dim3A_684, %broadcast_in_dim3A_685 : vector<16xi1>, vector<16xi32>
      %add3A_687 = arith.addi %add3A_669, %select_n3A_686 : vector<16xi32>
      %mul3A_688 = arith.constant 1024 : i32
      %mul3A_689 = arith.muli %shift_right_arithmetic3A_507, %mul3A_688 : i32
      %add3A_690 = arith.constant 4096 : i32
      %add3A_691 = arith.addi %add3A_690, %mul3A_689 : i32
      %add3A_692 = arith.constant 256 : i32
      %add3A_693 = arith.addi %add3A_691, %add3A_692 : i32
      %add3A_694 = arith.addi %add3A_693, %mul3A_510 : i32
      %get3A_695 = arith.index_cast %add3A_694 : i32 to index
      %get3A_696 = tpu.vector_load %arg5[%get3A_695] {strides = array<i32>} : memref<12288xf32, #tpu.memory_space<vmem>>, vector<16xf32>,
      %gt3A_697 = arith.constant 0.000000e+00 : f32
      %gt3A_698 = vector.broadcast %gt3A_697 : f32 to vector<16xf32>
      %gt3A_699 = arith.cmpf ogt, %get3A_696, %gt3A_698 : vector<16xf32>
      %jit3A_700 = arith.constant 1024 : i32
      %jit3A_701 = arith.constant 0 : i32
      %broadcast_in_dim3A_702 = vector.broadcast %jit3A_700 : i32 to vector<16xi32>
      %broadcast_in_dim3A_703 = vector.broadcast %jit3A_701 : i32 to vector<16xi32>
      %select_n3A_704 = arith.select %gt3A_699, %broadcast_in_dim3A_702, %broadcast_in_dim3A_703 : vector<16xi1>, vector<16xi32>
      %add3A_705 = arith.addi %add3A_687, %select_n3A_704 : vector<16xi32>
      %mul3A_706 = arith.constant 1024 : i32
      %mul3A_707 = arith.muli %shift_right_arithmetic3A_507, %mul3A_706 : i32
      %add3A_708 = arith.constant 4096 : i32
      %add3A_709 = arith.addi %add3A_708, %mul3A_707 : i32
      %add3A_710 = arith.constant 384 : i32
      %add3A_711 = arith.addi %add3A_709, %add3A_710 : i32
      %add3A_712 = arith.addi %add3A_711, %mul3A_510 : i32
      %get3A_713 = arith.index_cast %add3A_712 : i32 to index
      %get3A_714 = tpu.vector_load %arg5[%get3A_713] {strides = array<i32>} : memref<12288xf32, #tpu.memory_space<vmem>>, vector<16xf32>,
      %gt3A_715 = arith.constant 0.000000e+00 : f32
      %gt3A_716 = vector.broadcast %gt3A_715 : f32 to vector<16xf32>
      %gt3A_717 = arith.cmpf ogt, %get3A_714, %gt3A_716 : vector<16xf32>
      %jit3A_718 = arith.constant 2048 : i32
      %jit3A_719 = arith.constant 0 : i32
      %broadcast_in_dim3A_720 = vector.broadcast %jit3A_718 : i32 to vector<16xi32>
      %broadcast_in_dim3A_721 = vector.broadcast %jit3A_719 : i32 to vector<16xi32>
      %select_n3A_722 = arith.select %gt3A_717, %broadcast_in_dim3A_720, %broadcast_in_dim3A_721 : vector<16xi1>, vector<16xi32>
      %add3A_723 = arith.addi %add3A_705, %select_n3A_722 : vector<16xi32>
      %mul3A_724 = arith.constant 1024 : i32
      %mul3A_725 = arith.muli %shift_right_arithmetic3A_507, %mul3A_724 : i32
      %add3A_726 = arith.constant 4096 : i32
      %add3A_727 = arith.addi %add3A_726, %mul3A_725 : i32
      %add3A_728 = arith.constant 512 : i32
      %add3A_729 = arith.addi %add3A_727, %add3A_728 : i32
      %add3A_730 = arith.addi %add3A_729, %mul3A_510 : i32
      %get3A_731 = arith.index_cast %add3A_730 : i32 to index
      %get3A_732 = tpu.vector_load %arg5[%get3A_731] {strides = array<i32>} : memref<12288xf32, #tpu.memory_space<vmem>>, vector<16xf32>,
      %gt3A_733 = arith.constant 0.000000e+00 : f32
      %gt3A_734 = vector.broadcast %gt3A_733 : f32 to vector<16xf32>
      %gt3A_735 = arith.cmpf ogt, %get3A_732, %gt3A_734 : vector<16xf32>
      %jit3A_736 = arith.constant 4096 : i32
      %jit3A_737 = arith.constant 0 : i32
      %broadcast_in_dim3A_738 = vector.broadcast %jit3A_736 : i32 to vector<16xi32>
      %broadcast_in_dim3A_739 = vector.broadcast %jit3A_737 : i32 to vector<16xi32>
      %select_n3A_740 = arith.select %gt3A_735, %broadcast_in_dim3A_738, %broadcast_in_dim3A_739 : vector<16xi1>, vector<16xi32>
      %add3A_741 = arith.addi %add3A_723, %select_n3A_740 : vector<16xi32>
      %mul3A_742 = arith.constant 1024 : i32
      %mul3A_743 = arith.muli %shift_right_arithmetic3A_507, %mul3A_742 : i32
      %add3A_744 = arith.constant 4096 : i32
      %add3A_745 = arith.addi %add3A_744, %mul3A_743 : i32
      %add3A_746 = arith.constant 640 : i32
      %add3A_747 = arith.addi %add3A_745, %add3A_746 : i32
      %add3A_748 = arith.addi %add3A_747, %mul3A_510 : i32
      %get3A_749 = arith.index_cast %add3A_748 : i32 to index
      %get3A_750 = tpu.vector_load %arg5[%get3A_749] {strides = array<i32>} : memref<12288xf32, #tpu.memory_space<vmem>>, vector<16xf32>,
      %gt3A_751 = arith.constant 0.000000e+00 : f32
      %gt3A_752 = vector.broadcast %gt3A_751 : f32 to vector<16xf32>
      %gt3A_753 = arith.cmpf ogt, %get3A_750, %gt3A_752 : vector<16xf32>
      %jit3A_754 = arith.constant 8192 : i32
      %jit3A_755 = arith.constant 0 : i32
      %broadcast_in_dim3A_756 = vector.broadcast %jit3A_754 : i32 to vector<16xi32>
      %broadcast_in_dim3A_757 = vector.broadcast %jit3A_755 : i32 to vector<16xi32>
      %select_n3A_758 = arith.select %gt3A_753, %broadcast_in_dim3A_756, %broadcast_in_dim3A_757 : vector<16xi1>, vector<16xi32>
      %add3A_759 = arith.addi %add3A_741, %select_n3A_758 : vector<16xi32>
      %mul3A_760 = arith.constant 1024 : i32
      %mul3A_761 = arith.muli %shift_right_arithmetic3A_507, %mul3A_760 : i32
      %add3A_762 = arith.constant 4096 : i32
      %add3A_763 = arith.addi %add3A_762, %mul3A_761 : i32
      %add3A_764 = arith.constant 768 : i32
      %add3A_765 = arith.addi %add3A_763, %add3A_764 : i32
      %add3A_766 = arith.addi %add3A_765, %mul3A_510 : i32
      %get3A_767 = arith.index_cast %add3A_766 : i32 to index
      %get3A_768 = tpu.vector_load %arg5[%get3A_767] {strides = array<i32>} : memref<12288xf32, #tpu.memory_space<vmem>>, vector<16xf32>,
      %gt3A_769 = arith.constant 0.000000e+00 : f32
      %gt3A_770 = vector.broadcast %gt3A_769 : f32 to vector<16xf32>
      %gt3A_771 = arith.cmpf ogt, %get3A_768, %gt3A_770 : vector<16xf32>
      %jit3A_772 = arith.constant 16384 : i32
      %jit3A_773 = arith.constant 0 : i32
      %broadcast_in_dim3A_774 = vector.broadcast %jit3A_772 : i32 to vector<16xi32>
      %broadcast_in_dim3A_775 = vector.broadcast %jit3A_773 : i32 to vector<16xi32>
      %select_n3A_776 = arith.select %gt3A_771, %broadcast_in_dim3A_774, %broadcast_in_dim3A_775 : vector<16xi1>, vector<16xi32>
      %add3A_777 = arith.addi %add3A_759, %select_n3A_776 : vector<16xi32>
      %mul3A_778 = arith.constant 1024 : i32
      %mul3A_779 = arith.muli %shift_right_arithmetic3A_507, %mul3A_778 : i32
      %add3A_780 = arith.constant 4096 : i32
      %add3A_781 = arith.addi %add3A_780, %mul3A_779 : i32
      %add3A_782 = arith.constant 896 : i32
      %add3A_783 = arith.addi %add3A_781, %add3A_782 : i32
      %add3A_784 = arith.addi %add3A_783, %mul3A_510 : i32
      %get3A_785 = arith.index_cast %add3A_784 : i32 to index
      %get3A_786 = tpu.vector_load %arg5[%get3A_785] {strides = array<i32>} : memref<12288xf32, #tpu.memory_space<vmem>>, vector<16xf32>,
      %gt3A_787 = arith.constant 0.000000e+00 : f32
      %gt3A_788 = vector.broadcast %gt3A_787 : f32 to vector<16xf32>
      %gt3A_789 = arith.cmpf ogt, %get3A_786, %gt3A_788 : vector<16xf32>
      %jit3A_790 = arith.constant 32768 : i32
      %jit3A_791 = arith.constant 0 : i32
      %broadcast_in_dim3A_792 = vector.broadcast %jit3A_790 : i32 to vector<16xi32>
      %broadcast_in_dim3A_793 = vector.broadcast %jit3A_791 : i32 to vector<16xi32>
      %select_n3A_794 = arith.select %gt3A_789, %broadcast_in_dim3A_792, %broadcast_in_dim3A_793 : vector<16xi1>, vector<16xi32>
      %add3A_795 = arith.addi %add3A_777, %select_n3A_794 : vector<16xi32>
      %mul3A_796 = arith.constant 1024 : i32
      %mul3A_797 = arith.muli %shift_right_arithmetic3A_507, %mul3A_796 : i32
      %add3A_798 = arith.constant 8192 : i32
      %add3A_799 = arith.addi %add3A_798, %mul3A_797 : i32
      %add3A_800 = arith.constant 0 : i32
      %add3A_801 = arith.addi %add3A_799, %add3A_800 : i32
      %add3A_802 = arith.addi %add3A_801, %mul3A_510 : i32
      %get3A_803 = arith.index_cast %add3A_802 : i32 to index
      %get3A_804 = tpu.vector_load %arg5[%get3A_803] {strides = array<i32>} : memref<12288xf32, #tpu.memory_space<vmem>>, vector<16xf32>,
      %gt3A_805 = arith.constant 0.000000e+00 : f32
      %gt3A_806 = vector.broadcast %gt3A_805 : f32 to vector<16xf32>
      %gt3A_807 = arith.cmpf ogt, %get3A_804, %gt3A_806 : vector<16xf32>
      %jit3A_808 = arith.constant 65536 : i32
      %jit3A_809 = arith.constant 0 : i32
      %broadcast_in_dim3A_810 = vector.broadcast %jit3A_808 : i32 to vector<16xi32>
      %broadcast_in_dim3A_811 = vector.broadcast %jit3A_809 : i32 to vector<16xi32>
      %select_n3A_812 = arith.select %gt3A_807, %broadcast_in_dim3A_810, %broadcast_in_dim3A_811 : vector<16xi1>, vector<16xi32>
      %add3A_813 = arith.addi %add3A_795, %select_n3A_812 : vector<16xi32>
      %mul3A_814 = arith.constant 1024 : i32
      %mul3A_815 = arith.muli %shift_right_arithmetic3A_507, %mul3A_814 : i32
      %add3A_816 = arith.constant 8192 : i32
      %add3A_817 = arith.addi %add3A_816, %mul3A_815 : i32
      %add3A_818 = arith.constant 128 : i32
      %add3A_819 = arith.addi %add3A_817, %add3A_818 : i32
      %add3A_820 = arith.addi %add3A_819, %mul3A_510 : i32
      %get3A_821 = arith.index_cast %add3A_820 : i32 to index
      %get3A_822 = tpu.vector_load %arg5[%get3A_821] {strides = array<i32>} : memref<12288xf32, #tpu.memory_space<vmem>>, vector<16xf32>,
      %gt3A_823 = arith.constant 0.000000e+00 : f32
      %gt3A_824 = vector.broadcast %gt3A_823 : f32 to vector<16xf32>
      %gt3A_825 = arith.cmpf ogt, %get3A_822, %gt3A_824 : vector<16xf32>
      %jit3A_826 = arith.constant 131072 : i32
      %jit3A_827 = arith.constant 0 : i32
      %broadcast_in_dim3A_828 = vector.broadcast %jit3A_826 : i32 to vector<16xi32>
      %broadcast_in_dim3A_829 = vector.broadcast %jit3A_827 : i32 to vector<16xi32>
      %select_n3A_830 = arith.select %gt3A_825, %broadcast_in_dim3A_828, %broadcast_in_dim3A_829 : vector<16xi1>, vector<16xi32>
      %add3A_831 = arith.addi %add3A_813, %select_n3A_830 : vector<16xi32>
      %mul3A_832 = arith.constant 1024 : i32
      %mul3A_833 = arith.muli %shift_right_arithmetic3A_507, %mul3A_832 : i32
      %add3A_834 = arith.constant 8192 : i32
      %add3A_835 = arith.addi %add3A_834, %mul3A_833 : i32
      %add3A_836 = arith.constant 256 : i32
      %add3A_837 = arith.addi %add3A_835, %add3A_836 : i32
      %add3A_838 = arith.addi %add3A_837, %mul3A_510 : i32
      %get3A_839 = arith.index_cast %add3A_838 : i32 to index
      %get3A_840 = tpu.vector_load %arg5[%get3A_839] {strides = array<i32>} : memref<12288xf32, #tpu.memory_space<vmem>>, vector<16xf32>,
      %gt3A_841 = arith.constant 0.000000e+00 : f32
      %gt3A_842 = vector.broadcast %gt3A_841 : f32 to vector<16xf32>
      %gt3A_843 = arith.cmpf ogt, %get3A_840, %gt3A_842 : vector<16xf32>
      %jit3A_844 = arith.constant 262144 : i32
      %jit3A_845 = arith.constant 0 : i32
      %broadcast_in_dim3A_846 = vector.broadcast %jit3A_844 : i32 to vector<16xi32>
      %broadcast_in_dim3A_847 = vector.broadcast %jit3A_845 : i32 to vector<16xi32>
      %select_n3A_848 = arith.select %gt3A_843, %broadcast_in_dim3A_846, %broadcast_in_dim3A_847 : vector<16xi1>, vector<16xi32>
      %add3A_849 = arith.addi %add3A_831, %select_n3A_848 : vector<16xi32>
      %mul3A_850 = arith.constant 1024 : i32
      %mul3A_851 = arith.muli %shift_right_arithmetic3A_507, %mul3A_850 : i32
      %add3A_852 = arith.constant 8192 : i32
      %add3A_853 = arith.addi %add3A_852, %mul3A_851 : i32
      %add3A_854 = arith.constant 384 : i32
      %add3A_855 = arith.addi %add3A_853, %add3A_854 : i32
      %add3A_856 = arith.addi %add3A_855, %mul3A_510 : i32
      %get3A_857 = arith.index_cast %add3A_856 : i32 to index
      %get3A_858 = tpu.vector_load %arg5[%get3A_857] {strides = array<i32>} : memref<12288xf32, #tpu.memory_space<vmem>>, vector<16xf32>,
      %gt3A_859 = arith.constant 0.000000e+00 : f32
      %gt3A_860 = vector.broadcast %gt3A_859 : f32 to vector<16xf32>
      %gt3A_861 = arith.cmpf ogt, %get3A_858, %gt3A_860 : vector<16xf32>
      %jit3A_862 = arith.constant 524288 : i32
      %jit3A_863 = arith.constant 0 : i32
      %broadcast_in_dim3A_864 = vector.broadcast %jit3A_862 : i32 to vector<16xi32>
      %broadcast_in_dim3A_865 = vector.broadcast %jit3A_863 : i32 to vector<16xi32>
      %select_n3A_866 = arith.select %gt3A_861, %broadcast_in_dim3A_864, %broadcast_in_dim3A_865 : vector<16xi1>, vector<16xi32>
      %add3A_867 = arith.addi %add3A_849, %select_n3A_866 : vector<16xi32>
      %shift_right_arithmetic3A_868 = arith.constant 7 : i32
      %shift_right_arithmetic3A_869 = vector.broadcast %shift_right_arithmetic3A_868 : i32 to vector<16xi32>
      %shift_right_arithmetic3A_870 = arith.shrsi %add3A_867, %shift_right_arithmetic3A_869 : vector<16xi32>
      %shift_left3A = arith.constant 10 : i32
      %shift_left3A_871 = vector.broadcast %shift_left3A : i32 to vector<16xi32>
      %shift_left3A_872 = arith.shli %shift_right_arithmetic3A_870, %shift_left3A_871 : vector<16xi32>
      %and3A_873 = arith.constant 127 : i32
      %and3A_874 = vector.broadcast %and3A_873 : i32 to vector<16xi32>
      %and3A_875 = arith.andi %add3A_867, %and3A_874 : vector<16xi32>
      %add3A_876 = arith.addi %shift_left3A_872, %and3A_875 : vector<16xi32>
      %scan3A_877 = arith.constant 0 : i32
      %scan3A_878 = arith.constant 0 : i32
      %scan3A_879 = arith.constant 8 : i32
      %scan3A_880 = arith.addi %scan3A_878, %scan3A_879 : i32
      %scan3A_881 = arith.constant 1 : i32
      scf.for %scan3A_900 = %scan3A_878 to %scan3A_880 step %scan3A_881  : i32 {
        %mul3A_901 = arith.constant 64 : i32
        %mul3A_902 = arith.muli %shift_right_arithmetic3A_507, %mul3A_901 : i32
        %mul3A_903 = arith.constant 8 : i32
        %mul3A_904 = arith.muli %scan3A_900, %mul3A_903 : i32
        %add3A_905 = arith.addi %mul3A_902, %mul3A_904 : i32
        %mul3A_906 = arith.constant 128 : i32
        %mul3A_907 = arith.muli %add3A_905, %mul3A_906 : i32
        %add3A_908 = arith.addi %mul3A_907, %mul3A_510 : i32
        %mul3A_909 = arith.constant 8388608 : i32
        %mul3A_910 = arith.muli %scan3A_900, %mul3A_909 : i32
        %add3A_911 = vector.broadcast %mul3A_910 : i32 to vector<16xi32>
        %add3A_912 = arith.addi %add3A_876, %add3A_911 : vector<16xi32>
        %add3A_913 = arith.constant 0 : i32
        %add3A_914 = vector.broadcast %add3A_913 : i32 to vector<16xi32>
        %add3A_915 = arith.addi %add3A_912, %add3A_914 : vector<16xi32>
        %add3A_916 = arith.constant 0 : i32
        %add3A_917 = arith.addi %add3A_908, %add3A_916 : i32
        %swap3A = arith.index_cast %add3A_917 : i32 to index
        %swap3A_918 = tpu.vector_load %arg6[%swap3A] {strides = array<i32>} : memref<32768xi32, #tpu.memory_space<vmem>>, vector<16xi32>,
        tpu.vector_store %arg6[%swap3A], %add3A_915 {strides = array<i32>} : memref<32768xi32, #tpu.memory_space<vmem>>, vector<16xi32>,
        %add3A_919 = arith.constant 128 : i32
        %add3A_920 = vector.broadcast %add3A_919 : i32 to vector<16xi32>
        %add3A_921 = arith.addi %add3A_912, %add3A_920 : vector<16xi32>
        %add3A_922 = arith.constant 128 : i32
        %add3A_923 = arith.addi %add3A_908, %add3A_922 : i32
        %swap3A_924 = arith.index_cast %add3A_923 : i32 to index
        %swap3A_925 = tpu.vector_load %arg6[%swap3A_924] {strides = array<i32>} : memref<32768xi32, #tpu.memory_space<vmem>>, vector<16xi32>,
        tpu.vector_store %arg6[%swap3A_924], %add3A_921 {strides = array<i32>} : memref<32768xi32, #tpu.memory_space<vmem>>, vector<16xi32>,
        %add3A_926 = arith.constant 256 : i32
        %add3A_927 = vector.broadcast %add3A_926 : i32 to vector<16xi32>
        %add3A_928 = arith.addi %add3A_912, %add3A_927 : vector<16xi32>
        %add3A_929 = arith.constant 256 : i32
        %add3A_930 = arith.addi %add3A_908, %add3A_929 : i32
        %swap3A_931 = arith.index_cast %add3A_930 : i32 to index
        %swap3A_932 = tpu.vector_load %arg6[%swap3A_931] {strides = array<i32>} : memref<32768xi32, #tpu.memory_space<vmem>>, vector<16xi32>,
        tpu.vector_store %arg6[%swap3A_931], %add3A_928 {strides = array<i32>} : memref<32768xi32, #tpu.memory_space<vmem>>, vector<16xi32>,
        %add3A_933 = arith.constant 384 : i32
        %add3A_934 = vector.broadcast %add3A_933 : i32 to vector<16xi32>
        %add3A_935 = arith.addi %add3A_912, %add3A_934 : vector<16xi32>
        %add3A_936 = arith.constant 384 : i32
        %add3A_937 = arith.addi %add3A_908, %add3A_936 : i32
        %swap3A_938 = arith.index_cast %add3A_937 : i32 to index
        %swap3A_939 = tpu.vector_load %arg6[%swap3A_938] {strides = array<i32>} : memref<32768xi32, #tpu.memory_space<vmem>>, vector<16xi32>,
        tpu.vector_store %arg6[%swap3A_938], %add3A_935 {strides = array<i32>} : memref<32768xi32, #tpu.memory_space<vmem>>, vector<16xi32>,
        %add3A_940 = arith.constant 512 : i32
        %add3A_941 = vector.broadcast %add3A_940 : i32 to vector<16xi32>
        %add3A_942 = arith.addi %add3A_912, %add3A_941 : vector<16xi32>
        %add3A_943 = arith.constant 512 : i32
        %add3A_944 = arith.addi %add3A_908, %add3A_943 : i32
        %swap3A_945 = arith.index_cast %add3A_944 : i32 to index
        %swap3A_946 = tpu.vector_load %arg6[%swap3A_945] {strides = array<i32>} : memref<32768xi32, #tpu.memory_space<vmem>>, vector<16xi32>,
        tpu.vector_store %arg6[%swap3A_945], %add3A_942 {strides = array<i32>} : memref<32768xi32, #tpu.memory_space<vmem>>, vector<16xi32>,
        %add3A_947 = arith.constant 640 : i32
        %add3A_948 = vector.broadcast %add3A_947 : i32 to vector<16xi32>
        %add3A_949 = arith.addi %add3A_912, %add3A_948 : vector<16xi32>
        %add3A_950 = arith.constant 640 : i32
        %add3A_951 = arith.addi %add3A_908, %add3A_950 : i32
        %swap3A_952 = arith.index_cast %add3A_951 : i32 to index
        %swap3A_953 = tpu.vector_load %arg6[%swap3A_952] {strides = array<i32>} : memref<32768xi32, #tpu.memory_space<vmem>>, vector<16xi32>,
        tpu.vector_store %arg6[%swap3A_952], %add3A_949 {strides = array<i32>} : memref<32768xi32, #tpu.memory_space<vmem>>, vector<16xi32>,
        %add3A_954 = arith.constant 768 : i32
        %add3A_955 = vector.broadcast %add3A_954 : i32 to vector<16xi32>
        %add3A_956 = arith.addi %add3A_912, %add3A_955 : vector<16xi32>
        %add3A_957 = arith.constant 768 : i32
        %add3A_958 = arith.addi %add3A_908, %add3A_957 : i32
        %swap3A_959 = arith.index_cast %add3A_958 : i32 to index
        %swap3A_960 = tpu.vector_load %arg6[%swap3A_959] {strides = array<i32>} : memref<32768xi32, #tpu.memory_space<vmem>>, vector<16xi32>,
        tpu.vector_store %arg6[%swap3A_959], %add3A_956 {strides = array<i32>} : memref<32768xi32, #tpu.memory_space<vmem>>, vector<16xi32>,
        %add3A_961 = arith.constant 896 : i32
        %add3A_962 = vector.broadcast %add3A_961 : i32 to vector<16xi32>
        %add3A_963 = arith.addi %add3A_912, %add3A_962 : vector<16xi32>
        %add3A_964 = arith.constant 896 : i32
        %add3A_965 = arith.addi %add3A_908, %add3A_964 : i32
        %swap3A_966 = arith.index_cast %add3A_965 : i32 to index
        %swap3A_967 = tpu.vector_load %arg6[%swap3A_966] {strides = array<i32>} : memref<32768xi32, #tpu.memory_space<vmem>>, vector<16xi32>,
        tpu.vector_store %arg6[%swap3A_966], %add3A_963 {strides = array<i32>} : memref<32768xi32, #tpu.memory_space<vmem>>, vector<16xi32>,
      }
      %scan3A_882 = arith.constant 8 : i32
      %eq3A = arith.constant 7 : i32
      %eq3A_883 = arith.cmpi eq, %scan3A_506, %eq3A : i32
      %convert_element_type3A = arith.extui %eq3A_883 : i1 to i32
      %cond3A = arith.constant 0 : i32
      %cond3A_884 = arith.cmpi ne, %convert_element_type3A, %cond3A : i32
      scf.if %cond3A_884 {
        %dma_start3A_900 = arith.constant 0 : i32
        %dma_start3A_901 = tpu.memref_slice %arg7[%dma_start3A_900] : memref<32768xf32, #tpu.memory_space<vmem>> -> memref<8192xf32, #tpu.memory_space<vmem>>
        %dma_start3A_902 = arith.constant 0 : i32
        %dma_start3A_903 = tpu.memref_slice %arg6[%dma_start3A_902] : memref<32768xi32, #tpu.memory_space<vmem>> -> memref<8192xi32, #tpu.memory_space<vmem>>
        %dma_start3A_904 = arith.constant 0 : i32
        %dma_start3A_905 = tpu.memref_slice %arg3[%dma_start3A_904] : memref<67108864xf32, #tpu.memory_space<hbm>> -> memref<67108864xf32, #tpu.memory_space<hbm>>
        tpu.enqueue_indirect_dma source(%dma_start3A_905 : memref<67108864xf32, #tpu.memory_space<hbm>>) target(%dma_start3A_901 : memref<8192xf32, #tpu.memory_space<vmem>>) offsets(%dma_start3A_903 : memref<8192xi32, #tpu.memory_space<vmem>>) semaphore(%arg8 : memref<!tpu.dma_semaphore, #tpu.memory_space<semaphore_mem>>)
      } else {
      }
      %eq3A_885 = arith.constant 15 : i32
      %eq3A_886 = arith.cmpi eq, %scan3A_506, %eq3A_885 : i32
      %convert_element_type3A_887 = arith.extui %eq3A_886 : i1 to i32
      %cond3A_888 = arith.constant 0 : i32
      %cond3A_889 = arith.cmpi ne, %convert_element_type3A_887, %cond3A_888 : i32
      scf.if %cond3A_889 {
        %dma_start3A_900 = arith.constant 8192 : i32
        %dma_start3A_901 = tpu.memref_slice %arg7[%dma_start3A_900] : memref<32768xf32, #tpu.memory_space<vmem>> -> memref<8192xf32, #tpu.memory_space<vmem>>
        %dma_start3A_902 = arith.constant 8192 : i32
        %dma_start3A_903 = tpu.memref_slice %arg6[%dma_start3A_902] : memref<32768xi32, #tpu.memory_space<vmem>> -> memref<8192xi32, #tpu.memory_space<vmem>>
        %dma_start3A_904 = arith.constant 0 : i32
        %dma_start3A_905 = tpu.memref_slice %arg3[%dma_start3A_904] : memref<67108864xf32, #tpu.memory_space<hbm>> -> memref<67108864xf32, #tpu.memory_space<hbm>>
        tpu.enqueue_indirect_dma source(%dma_start3A_905 : memref<67108864xf32, #tpu.memory_space<hbm>>) target(%dma_start3A_901 : memref<8192xf32, #tpu.memory_space<vmem>>) offsets(%dma_start3A_903 : memref<8192xi32, #tpu.memory_space<vmem>>) semaphore(%arg9 : memref<!tpu.dma_semaphore, #tpu.memory_space<semaphore_mem>>)
      } else {
      }
      %eq3A_890 = arith.constant 23 : i32
      %eq3A_891 = arith.cmpi eq, %scan3A_506, %eq3A_890 : i32
      %convert_element_type3A_892 = arith.extui %eq3A_891 : i1 to i32
      %cond3A_893 = arith.constant 0 : i32
      %cond3A_894 = arith.cmpi ne, %convert_element_type3A_892, %cond3A_893 : i32
      scf.if %cond3A_894 {
        %dma_start3A_900 = arith.constant 16384 : i32
        %dma_start3A_901 = tpu.memref_slice %arg7[%dma_start3A_900] : memref<32768xf32, #tpu.memory_space<vmem>> -> memref<8192xf32, #tpu.memory_space<vmem>>
        %dma_start3A_902 = arith.constant 16384 : i32
        %dma_start3A_903 = tpu.memref_slice %arg6[%dma_start3A_902] : memref<32768xi32, #tpu.memory_space<vmem>> -> memref<8192xi32, #tpu.memory_space<vmem>>
        %dma_start3A_904 = arith.constant 0 : i32
        %dma_start3A_905 = tpu.memref_slice %arg3[%dma_start3A_904] : memref<67108864xf32, #tpu.memory_space<hbm>> -> memref<67108864xf32, #tpu.memory_space<hbm>>
        tpu.enqueue_indirect_dma source(%dma_start3A_905 : memref<67108864xf32, #tpu.memory_space<hbm>>) target(%dma_start3A_901 : memref<8192xf32, #tpu.memory_space<vmem>>) offsets(%dma_start3A_903 : memref<8192xi32, #tpu.memory_space<vmem>>) semaphore(%arg10 : memref<!tpu.dma_semaphore, #tpu.memory_space<semaphore_mem>>)
      } else {
      }
      %eq3A_895 = arith.constant 31 : i32
      %eq3A_896 = arith.cmpi eq, %scan3A_506, %eq3A_895 : i32
      %convert_element_type3A_897 = arith.extui %eq3A_896 : i1 to i32
      %cond3A_898 = arith.constant 0 : i32
      %cond3A_899 = arith.cmpi ne, %convert_element_type3A_897, %cond3A_898 : i32
      scf.if %cond3A_899 {
        %dma_start3A_900 = arith.constant 24576 : i32
        %dma_start3A_901 = tpu.memref_slice %arg7[%dma_start3A_900] : memref<32768xf32, #tpu.memory_space<vmem>> -> memref<8192xf32, #tpu.memory_space<vmem>>
        %dma_start3A_902 = arith.constant 24576 : i32
        %dma_start3A_903 = tpu.memref_slice %arg6[%dma_start3A_902] : memref<32768xi32, #tpu.memory_space<vmem>> -> memref<8192xi32, #tpu.memory_space<vmem>>
        %dma_start3A_904 = arith.constant 0 : i32
        %dma_start3A_905 = tpu.memref_slice %arg3[%dma_start3A_904] : memref<67108864xf32, #tpu.memory_space<hbm>> -> memref<67108864xf32, #tpu.memory_space<hbm>>
        tpu.enqueue_indirect_dma source(%dma_start3A_905 : memref<67108864xf32, #tpu.memory_space<hbm>>) target(%dma_start3A_901 : memref<8192xf32, #tpu.memory_space<vmem>>) offsets(%dma_start3A_903 : memref<8192xi32, #tpu.memory_space<vmem>>) semaphore(%arg11 : memref<!tpu.dma_semaphore, #tpu.memory_space<semaphore_mem>>)
      } else {
      }
    }
    %scan3A_23 = arith.constant 32 : i32
    %dma_wait3A = arith.constant 0 : i32
    %dma_wait3A_24 = tpu.memref_slice %arg7[%dma_wait3A] : memref<32768xf32, #tpu.memory_space<vmem>> -> memref<8192xf32, #tpu.memory_space<vmem>>
    %dma_wait3A_25 = arith.constant 0 : i32
    %dma_wait3A_26 = tpu.memref_slice %arg3[%dma_wait3A_25] : memref<67108864xf32, #tpu.memory_space<hbm>> -> memref<8192xf32, #tpu.memory_space<hbm>>
    %dma_wait3A_27 = arith.constant 0 : i32
    %dma_wait3A_28 = tpu.memref_slice %arg7[%dma_wait3A_27] : memref<32768xf32, #tpu.memory_space<vmem>> -> memref<8192xf32, #tpu.memory_space<vmem>>
    %dma_wait3A_29 = arith.constant 0 : i32
    %dma_wait3A_30 = tpu.memref_slice %arg3[%dma_wait3A_29] : memref<67108864xf32, #tpu.memory_space<hbm>> -> memref<8192xf32, #tpu.memory_space<hbm>>
    tpu.wait_dma2 semaphore(%arg8 : memref<!tpu.dma_semaphore, #tpu.memory_space<semaphore_mem>>) src(%dma_wait3A_30 : memref<8192xf32, #tpu.memory_space<hbm>>) dst(%dma_wait3A_28 : memref<8192xf32, #tpu.memory_space<vmem>>)
    %mul3A_31 = arith.constant 4 : i32
    %mul3A_32 = arith.muli %mul3A_31, %add3A : i32
    %add3A_33 = arith.constant 0 : i32
    %add3A_34 = arith.addi %mul3A_32, %add3A_33 : i32
    %mul3A_35 = arith.constant 1024 : i32
    %mul3A_36 = arith.muli %add3A_34, %mul3A_35 : i32
    %add3A_37 = arith.constant 0 : i32
    %add3A_38 = arith.addi %add3A_37, %mul3A_36 : i32
    %dma_start3A = arith.constant 0 : i32
    %dma_start3A_39 = tpu.memref_slice %arg7[%dma_start3A] : memref<32768xf32, #tpu.memory_space<vmem>> -> memref<1024xf32, #tpu.memory_space<vmem>>
    %dma_start3A_40 = tpu.memref_slice %arg4[%add3A_38] : memref<1048576xf32, #tpu.memory_space<hbm>> -> memref<1024xf32, #tpu.memory_space<hbm>>
    %dma_start3A_41 = tpu.memref_slice %arg4[%add3A_38] : memref<1048576xf32, #tpu.memory_space<hbm>> -> memref<1024xf32, #tpu.memory_space<hbm>>
    %dma_start3A_42 = arith.constant 0 : i32
    %dma_start3A_43 = tpu.memref_slice %arg7[%dma_start3A_42] : memref<32768xf32, #tpu.memory_space<vmem>> -> memref<1024xf32, #tpu.memory_space<vmem>>
    tpu.enqueue_dma source(%dma_start3A_43 : memref<1024xf32, #tpu.memory_space<vmem>>) target(%dma_start3A_41 : memref<1024xf32, #tpu.memory_space<hbm>>) target_semaphore(%arg12 : memref<!tpu.dma_semaphore, #tpu.memory_space<semaphore_mem>>)
    %mul3A_44 = arith.constant 4 : i32
    %mul3A_45 = arith.muli %mul3A_44, %add3A : i32
    %add3A_46 = arith.constant 0 : i32
    %add3A_47 = arith.addi %mul3A_45, %add3A_46 : i32
    %mul3A_48 = arith.constant 1024 : i32
    %mul3A_49 = arith.muli %add3A_47, %mul3A_48 : i32
    %add3A_50 = arith.constant 131072 : i32
    %add3A_51 = arith.addi %add3A_50, %mul3A_49 : i32
    %dma_start3A_52 = arith.constant 1024 : i32
    %dma_start3A_53 = tpu.memref_slice %arg7[%dma_start3A_52] : memref<32768xf32, #tpu.memory_space<vmem>> -> memref<1024xf32, #tpu.memory_space<vmem>>
    %dma_start3A_54 = tpu.memref_slice %arg4[%add3A_51] : memref<1048576xf32, #tpu.memory_space<hbm>> -> memref<1024xf32, #tpu.memory_space<hbm>>
    %dma_start3A_55 = tpu.memref_slice %arg4[%add3A_51] : memref<1048576xf32, #tpu.memory_space<hbm>> -> memref<1024xf32, #tpu.memory_space<hbm>>
    %dma_start3A_56 = arith.constant 1024 : i32
    %dma_start3A_57 = tpu.memref_slice %arg7[%dma_start3A_56] : memref<32768xf32, #tpu.memory_space<vmem>> -> memref<1024xf32, #tpu.memory_space<vmem>>
    tpu.enqueue_dma source(%dma_start3A_57 : memref<1024xf32, #tpu.memory_space<vmem>>) target(%dma_start3A_55 : memref<1024xf32, #tpu.memory_space<hbm>>) target_semaphore(%arg12 : memref<!tpu.dma_semaphore, #tpu.memory_space<semaphore_mem>>)
    %mul3A_58 = arith.constant 4 : i32
    %mul3A_59 = arith.muli %mul3A_58, %add3A : i32
    %add3A_60 = arith.constant 0 : i32
    %add3A_61 = arith.addi %mul3A_59, %add3A_60 : i32
    %mul3A_62 = arith.constant 1024 : i32
    %mul3A_63 = arith.muli %add3A_61, %mul3A_62 : i32
    %add3A_64 = arith.constant 262144 : i32
    %add3A_65 = arith.addi %add3A_64, %mul3A_63 : i32
    %dma_start3A_66 = arith.constant 2048 : i32
    %dma_start3A_67 = tpu.memref_slice %arg7[%dma_start3A_66] : memref<32768xf32, #tpu.memory_space<vmem>> -> memref<1024xf32, #tpu.memory_space<vmem>>
    %dma_start3A_68 = tpu.memref_slice %arg4[%add3A_65] : memref<1048576xf32, #tpu.memory_space<hbm>> -> memref<1024xf32, #tpu.memory_space<hbm>>
    %dma_start3A_69 = tpu.memref_slice %arg4[%add3A_65] : memref<1048576xf32, #tpu.memory_space<hbm>> -> memref<1024xf32, #tpu.memory_space<hbm>>
    %dma_start3A_70 = arith.constant 2048 : i32
    %dma_start3A_71 = tpu.memref_slice %arg7[%dma_start3A_70] : memref<32768xf32, #tpu.memory_space<vmem>> -> memref<1024xf32, #tpu.memory_space<vmem>>
    tpu.enqueue_dma source(%dma_start3A_71 : memref<1024xf32, #tpu.memory_space<vmem>>) target(%dma_start3A_69 : memref<1024xf32, #tpu.memory_space<hbm>>) target_semaphore(%arg12 : memref<!tpu.dma_semaphore, #tpu.memory_space<semaphore_mem>>)
    %mul3A_72 = arith.constant 4 : i32
    %mul3A_73 = arith.muli %mul3A_72, %add3A : i32
    %add3A_74 = arith.constant 0 : i32
    %add3A_75 = arith.addi %mul3A_73, %add3A_74 : i32
    %mul3A_76 = arith.constant 1024 : i32
    %mul3A_77 = arith.muli %add3A_75, %mul3A_76 : i32
    %add3A_78 = arith.constant 393216 : i32
    %add3A_79 = arith.addi %add3A_78, %mul3A_77 : i32
    %dma_start3A_80 = arith.constant 3072 : i32
    %dma_start3A_81 = tpu.memref_slice %arg7[%dma_start3A_80] : memref<32768xf32, #tpu.memory_space<vmem>> -> memref<1024xf32, #tpu.memory_space<vmem>>
    %dma_start3A_82 = tpu.memref_slice %arg4[%add3A_79] : memref<1048576xf32, #tpu.memory_space<hbm>> -> memref<1024xf32, #tpu.memory_space<hbm>>
    %dma_start3A_83 = tpu.memref_slice %arg4[%add3A_79] : memref<1048576xf32, #tpu.memory_space<hbm>> -> memref<1024xf32, #tpu.memory_space<hbm>>
    %dma_start3A_84 = arith.constant 3072 : i32
    %dma_start3A_85 = tpu.memref_slice %arg7[%dma_start3A_84] : memref<32768xf32, #tpu.memory_space<vmem>> -> memref<1024xf32, #tpu.memory_space<vmem>>
    tpu.enqueue_dma source(%dma_start3A_85 : memref<1024xf32, #tpu.memory_space<vmem>>) target(%dma_start3A_83 : memref<1024xf32, #tpu.memory_space<hbm>>) target_semaphore(%arg12 : memref<!tpu.dma_semaphore, #tpu.memory_space<semaphore_mem>>)
    %mul3A_86 = arith.constant 4 : i32
    %mul3A_87 = arith.muli %mul3A_86, %add3A : i32
    %add3A_88 = arith.constant 0 : i32
    %add3A_89 = arith.addi %mul3A_87, %add3A_88 : i32
    %mul3A_90 = arith.constant 1024 : i32
    %mul3A_91 = arith.muli %add3A_89, %mul3A_90 : i32
    %add3A_92 = arith.constant 524288 : i32
    %add3A_93 = arith.addi %add3A_92, %mul3A_91 : i32
    %dma_start3A_94 = arith.constant 4096 : i32
    %dma_start3A_95 = tpu.memref_slice %arg7[%dma_start3A_94] : memref<32768xf32, #tpu.memory_space<vmem>> -> memref<1024xf32, #tpu.memory_space<vmem>>
    %dma_start3A_96 = tpu.memref_slice %arg4[%add3A_93] : memref<1048576xf32, #tpu.memory_space<hbm>> -> memref<1024xf32, #tpu.memory_space<hbm>>
    %dma_start3A_97 = tpu.memref_slice %arg4[%add3A_93] : memref<1048576xf32, #tpu.memory_space<hbm>> -> memref<1024xf32, #tpu.memory_space<hbm>>
    %dma_start3A_98 = arith.constant 4096 : i32
    %dma_start3A_99 = tpu.memref_slice %arg7[%dma_start3A_98] : memref<32768xf32, #tpu.memory_space<vmem>> -> memref<1024xf32, #tpu.memory_space<vmem>>
    tpu.enqueue_dma source(%dma_start3A_99 : memref<1024xf32, #tpu.memory_space<vmem>>) target(%dma_start3A_97 : memref<1024xf32, #tpu.memory_space<hbm>>) target_semaphore(%arg12 : memref<!tpu.dma_semaphore, #tpu.memory_space<semaphore_mem>>)
    %mul3A_100 = arith.constant 4 : i32
    %mul3A_101 = arith.muli %mul3A_100, %add3A : i32
    %add3A_102 = arith.constant 0 : i32
    %add3A_103 = arith.addi %mul3A_101, %add3A_102 : i32
    %mul3A_104 = arith.constant 1024 : i32
    %mul3A_105 = arith.muli %add3A_103, %mul3A_104 : i32
    %add3A_106 = arith.constant 655360 : i32
    %add3A_107 = arith.addi %add3A_106, %mul3A_105 : i32
    %dma_start3A_108 = arith.constant 5120 : i32
    %dma_start3A_109 = tpu.memref_slice %arg7[%dma_start3A_108] : memref<32768xf32, #tpu.memory_space<vmem>> -> memref<1024xf32, #tpu.memory_space<vmem>>
    %dma_start3A_110 = tpu.memref_slice %arg4[%add3A_107] : memref<1048576xf32, #tpu.memory_space<hbm>> -> memref<1024xf32, #tpu.memory_space<hbm>>
    %dma_start3A_111 = tpu.memref_slice %arg4[%add3A_107] : memref<1048576xf32, #tpu.memory_space<hbm>> -> memref<1024xf32, #tpu.memory_space<hbm>>
    %dma_start3A_112 = arith.constant 5120 : i32
    %dma_start3A_113 = tpu.memref_slice %arg7[%dma_start3A_112] : memref<32768xf32, #tpu.memory_space<vmem>> -> memref<1024xf32, #tpu.memory_space<vmem>>
    tpu.enqueue_dma source(%dma_start3A_113 : memref<1024xf32, #tpu.memory_space<vmem>>) target(%dma_start3A_111 : memref<1024xf32, #tpu.memory_space<hbm>>) target_semaphore(%arg12 : memref<!tpu.dma_semaphore, #tpu.memory_space<semaphore_mem>>)
    %mul3A_114 = arith.constant 4 : i32
    %mul3A_115 = arith.muli %mul3A_114, %add3A : i32
    %add3A_116 = arith.constant 0 : i32
    %add3A_117 = arith.addi %mul3A_115, %add3A_116 : i32
    %mul3A_118 = arith.constant 1024 : i32
    %mul3A_119 = arith.muli %add3A_117, %mul3A_118 : i32
    %add3A_120 = arith.constant 786432 : i32
    %add3A_121 = arith.addi %add3A_120, %mul3A_119 : i32
    %dma_start3A_122 = arith.constant 6144 : i32
    %dma_start3A_123 = tpu.memref_slice %arg7[%dma_start3A_122] : memref<32768xf32, #tpu.memory_space<vmem>> -> memref<1024xf32, #tpu.memory_space<vmem>>
    %dma_start3A_124 = tpu.memref_slice %arg4[%add3A_121] : memref<1048576xf32, #tpu.memory_space<hbm>> -> memref<1024xf32, #tpu.memory_space<hbm>>
    %dma_start3A_125 = tpu.memref_slice %arg4[%add3A_121] : memref<1048576xf32, #tpu.memory_space<hbm>> -> memref<1024xf32, #tpu.memory_space<hbm>>
    %dma_start3A_126 = arith.constant 6144 : i32
    %dma_start3A_127 = tpu.memref_slice %arg7[%dma_start3A_126] : memref<32768xf32, #tpu.memory_space<vmem>> -> memref<1024xf32, #tpu.memory_space<vmem>>
    tpu.enqueue_dma source(%dma_start3A_127 : memref<1024xf32, #tpu.memory_space<vmem>>) target(%dma_start3A_125 : memref<1024xf32, #tpu.memory_space<hbm>>) target_semaphore(%arg12 : memref<!tpu.dma_semaphore, #tpu.memory_space<semaphore_mem>>)
    %mul3A_128 = arith.constant 4 : i32
    %mul3A_129 = arith.muli %mul3A_128, %add3A : i32
    %add3A_130 = arith.constant 0 : i32
    %add3A_131 = arith.addi %mul3A_129, %add3A_130 : i32
    %mul3A_132 = arith.constant 1024 : i32
    %mul3A_133 = arith.muli %add3A_131, %mul3A_132 : i32
    %add3A_134 = arith.constant 917504 : i32
    %add3A_135 = arith.addi %add3A_134, %mul3A_133 : i32
    %dma_start3A_136 = arith.constant 7168 : i32
    %dma_start3A_137 = tpu.memref_slice %arg7[%dma_start3A_136] : memref<32768xf32, #tpu.memory_space<vmem>> -> memref<1024xf32, #tpu.memory_space<vmem>>
    %dma_start3A_138 = tpu.memref_slice %arg4[%add3A_135] : memref<1048576xf32, #tpu.memory_space<hbm>> -> memref<1024xf32, #tpu.memory_space<hbm>>
    %dma_start3A_139 = tpu.memref_slice %arg4[%add3A_135] : memref<1048576xf32, #tpu.memory_space<hbm>> -> memref<1024xf32, #tpu.memory_space<hbm>>
    %dma_start3A_140 = arith.constant 7168 : i32
    %dma_start3A_141 = tpu.memref_slice %arg7[%dma_start3A_140] : memref<32768xf32, #tpu.memory_space<vmem>> -> memref<1024xf32, #tpu.memory_space<vmem>>
    tpu.enqueue_dma source(%dma_start3A_141 : memref<1024xf32, #tpu.memory_space<vmem>>) target(%dma_start3A_139 : memref<1024xf32, #tpu.memory_space<hbm>>) target_semaphore(%arg12 : memref<!tpu.dma_semaphore, #tpu.memory_space<semaphore_mem>>)
    %dma_wait3A_142 = arith.constant 8192 : i32
    %dma_wait3A_143 = tpu.memref_slice %arg7[%dma_wait3A_142] : memref<32768xf32, #tpu.memory_space<vmem>> -> memref<8192xf32, #tpu.memory_space<vmem>>
    %dma_wait3A_144 = arith.constant 0 : i32
    %dma_wait3A_145 = tpu.memref_slice %arg3[%dma_wait3A_144] : memref<67108864xf32, #tpu.memory_space<hbm>> -> memref<8192xf32, #tpu.memory_space<hbm>>
    %dma_wait3A_146 = arith.constant 8192 : i32
    %dma_wait3A_147 = tpu.memref_slice %arg7[%dma_wait3A_146] : memref<32768xf32, #tpu.memory_space<vmem>> -> memref<8192xf32, #tpu.memory_space<vmem>>
    %dma_wait3A_148 = arith.constant 0 : i32
    %dma_wait3A_149 = tpu.memref_slice %arg3[%dma_wait3A_148] : memref<67108864xf32, #tpu.memory_space<hbm>> -> memref<8192xf32, #tpu.memory_space<hbm>>
    tpu.wait_dma2 semaphore(%arg9 : memref<!tpu.dma_semaphore, #tpu.memory_space<semaphore_mem>>) src(%dma_wait3A_149 : memref<8192xf32, #tpu.memory_space<hbm>>) dst(%dma_wait3A_147 : memref<8192xf32, #tpu.memory_space<vmem>>)
    %mul3A_150 = arith.constant 4 : i32
    %mul3A_151 = arith.muli %mul3A_150, %add3A : i32
    %add3A_152 = arith.constant 1 : i32
    %add3A_153 = arith.addi %mul3A_151, %add3A_152 : i32
    %mul3A_154 = arith.constant 1024 : i32
    %mul3A_155 = arith.muli %add3A_153, %mul3A_154 : i32
    %add3A_156 = arith.constant 0 : i32
    %add3A_157 = arith.addi %add3A_156, %mul3A_155 : i32
    %dma_start3A_158 = arith.constant 8192 : i32
    %dma_start3A_159 = tpu.memref_slice %arg7[%dma_start3A_158] : memref<32768xf32, #tpu.memory_space<vmem>> -> memref<1024xf32, #tpu.memory_space<vmem>>
    %dma_start3A_160 = tpu.memref_slice %arg4[%add3A_157] : memref<1048576xf32, #tpu.memory_space<hbm>> -> memref<1024xf32, #tpu.memory_space<hbm>>
    %dma_start3A_161 = tpu.memref_slice %arg4[%add3A_157] : memref<1048576xf32, #tpu.memory_space<hbm>> -> memref<1024xf32, #tpu.memory_space<hbm>>
    %dma_start3A_162 = arith.constant 8192 : i32
    %dma_start3A_163 = tpu.memref_slice %arg7[%dma_start3A_162] : memref<32768xf32, #tpu.memory_space<vmem>> -> memref<1024xf32, #tpu.memory_space<vmem>>
    tpu.enqueue_dma source(%dma_start3A_163 : memref<1024xf32, #tpu.memory_space<vmem>>) target(%dma_start3A_161 : memref<1024xf32, #tpu.memory_space<hbm>>) target_semaphore(%arg12 : memref<!tpu.dma_semaphore, #tpu.memory_space<semaphore_mem>>)
    %mul3A_164 = arith.constant 4 : i32
    %mul3A_165 = arith.muli %mul3A_164, %add3A : i32
    %add3A_166 = arith.constant 1 : i32
    %add3A_167 = arith.addi %mul3A_165, %add3A_166 : i32
    %mul3A_168 = arith.constant 1024 : i32
    %mul3A_169 = arith.muli %add3A_167, %mul3A_168 : i32
    %add3A_170 = arith.constant 131072 : i32
    %add3A_171 = arith.addi %add3A_170, %mul3A_169 : i32
    %dma_start3A_172 = arith.constant 9216 : i32
    %dma_start3A_173 = tpu.memref_slice %arg7[%dma_start3A_172] : memref<32768xf32, #tpu.memory_space<vmem>> -> memref<1024xf32, #tpu.memory_space<vmem>>
    %dma_start3A_174 = tpu.memref_slice %arg4[%add3A_171] : memref<1048576xf32, #tpu.memory_space<hbm>> -> memref<1024xf32, #tpu.memory_space<hbm>>
    %dma_start3A_175 = tpu.memref_slice %arg4[%add3A_171] : memref<1048576xf32, #tpu.memory_space<hbm>> -> memref<1024xf32, #tpu.memory_space<hbm>>
    %dma_start3A_176 = arith.constant 9216 : i32
    %dma_start3A_177 = tpu.memref_slice %arg7[%dma_start3A_176] : memref<32768xf32, #tpu.memory_space<vmem>> -> memref<1024xf32, #tpu.memory_space<vmem>>
    tpu.enqueue_dma source(%dma_start3A_177 : memref<1024xf32, #tpu.memory_space<vmem>>) target(%dma_start3A_175 : memref<1024xf32, #tpu.memory_space<hbm>>) target_semaphore(%arg12 : memref<!tpu.dma_semaphore, #tpu.memory_space<semaphore_mem>>)
    %mul3A_178 = arith.constant 4 : i32
    %mul3A_179 = arith.muli %mul3A_178, %add3A : i32
    %add3A_180 = arith.constant 1 : i32
    %add3A_181 = arith.addi %mul3A_179, %add3A_180 : i32
    %mul3A_182 = arith.constant 1024 : i32
    %mul3A_183 = arith.muli %add3A_181, %mul3A_182 : i32
    %add3A_184 = arith.constant 262144 : i32
    %add3A_185 = arith.addi %add3A_184, %mul3A_183 : i32
    %dma_start3A_186 = arith.constant 10240 : i32
    %dma_start3A_187 = tpu.memref_slice %arg7[%dma_start3A_186] : memref<32768xf32, #tpu.memory_space<vmem>> -> memref<1024xf32, #tpu.memory_space<vmem>>
    %dma_start3A_188 = tpu.memref_slice %arg4[%add3A_185] : memref<1048576xf32, #tpu.memory_space<hbm>> -> memref<1024xf32, #tpu.memory_space<hbm>>
    %dma_start3A_189 = tpu.memref_slice %arg4[%add3A_185] : memref<1048576xf32, #tpu.memory_space<hbm>> -> memref<1024xf32, #tpu.memory_space<hbm>>
    %dma_start3A_190 = arith.constant 10240 : i32
    %dma_start3A_191 = tpu.memref_slice %arg7[%dma_start3A_190] : memref<32768xf32, #tpu.memory_space<vmem>> -> memref<1024xf32, #tpu.memory_space<vmem>>
    tpu.enqueue_dma source(%dma_start3A_191 : memref<1024xf32, #tpu.memory_space<vmem>>) target(%dma_start3A_189 : memref<1024xf32, #tpu.memory_space<hbm>>) target_semaphore(%arg12 : memref<!tpu.dma_semaphore, #tpu.memory_space<semaphore_mem>>)
    %mul3A_192 = arith.constant 4 : i32
    %mul3A_193 = arith.muli %mul3A_192, %add3A : i32
    %add3A_194 = arith.constant 1 : i32
    %add3A_195 = arith.addi %mul3A_193, %add3A_194 : i32
    %mul3A_196 = arith.constant 1024 : i32
    %mul3A_197 = arith.muli %add3A_195, %mul3A_196 : i32
    %add3A_198 = arith.constant 393216 : i32
    %add3A_199 = arith.addi %add3A_198, %mul3A_197 : i32
    %dma_start3A_200 = arith.constant 11264 : i32
    %dma_start3A_201 = tpu.memref_slice %arg7[%dma_start3A_200] : memref<32768xf32, #tpu.memory_space<vmem>> -> memref<1024xf32, #tpu.memory_space<vmem>>
    %dma_start3A_202 = tpu.memref_slice %arg4[%add3A_199] : memref<1048576xf32, #tpu.memory_space<hbm>> -> memref<1024xf32, #tpu.memory_space<hbm>>
    %dma_start3A_203 = tpu.memref_slice %arg4[%add3A_199] : memref<1048576xf32, #tpu.memory_space<hbm>> -> memref<1024xf32, #tpu.memory_space<hbm>>
    %dma_start3A_204 = arith.constant 11264 : i32
    %dma_start3A_205 = tpu.memref_slice %arg7[%dma_start3A_204] : memref<32768xf32, #tpu.memory_space<vmem>> -> memref<1024xf32, #tpu.memory_space<vmem>>
    tpu.enqueue_dma source(%dma_start3A_205 : memref<1024xf32, #tpu.memory_space<vmem>>) target(%dma_start3A_203 : memref<1024xf32, #tpu.memory_space<hbm>>) target_semaphore(%arg12 : memref<!tpu.dma_semaphore, #tpu.memory_space<semaphore_mem>>)
    %mul3A_206 = arith.constant 4 : i32
    %mul3A_207 = arith.muli %mul3A_206, %add3A : i32
    %add3A_208 = arith.constant 1 : i32
    %add3A_209 = arith.addi %mul3A_207, %add3A_208 : i32
    %mul3A_210 = arith.constant 1024 : i32
    %mul3A_211 = arith.muli %add3A_209, %mul3A_210 : i32
    %add3A_212 = arith.constant 524288 : i32
    %add3A_213 = arith.addi %add3A_212, %mul3A_211 : i32
    %dma_start3A_214 = arith.constant 12288 : i32
    %dma_start3A_215 = tpu.memref_slice %arg7[%dma_start3A_214] : memref<32768xf32, #tpu.memory_space<vmem>> -> memref<1024xf32, #tpu.memory_space<vmem>>
    %dma_start3A_216 = tpu.memref_slice %arg4[%add3A_213] : memref<1048576xf32, #tpu.memory_space<hbm>> -> memref<1024xf32, #tpu.memory_space<hbm>>
    %dma_start3A_217 = tpu.memref_slice %arg4[%add3A_213] : memref<1048576xf32, #tpu.memory_space<hbm>> -> memref<1024xf32, #tpu.memory_space<hbm>>
    %dma_start3A_218 = arith.constant 12288 : i32
    %dma_start3A_219 = tpu.memref_slice %arg7[%dma_start3A_218] : memref<32768xf32, #tpu.memory_space<vmem>> -> memref<1024xf32, #tpu.memory_space<vmem>>
    tpu.enqueue_dma source(%dma_start3A_219 : memref<1024xf32, #tpu.memory_space<vmem>>) target(%dma_start3A_217 : memref<1024xf32, #tpu.memory_space<hbm>>) target_semaphore(%arg12 : memref<!tpu.dma_semaphore, #tpu.memory_space<semaphore_mem>>)
    %mul3A_220 = arith.constant 4 : i32
    %mul3A_221 = arith.muli %mul3A_220, %add3A : i32
    %add3A_222 = arith.constant 1 : i32
    %add3A_223 = arith.addi %mul3A_221, %add3A_222 : i32
    %mul3A_224 = arith.constant 1024 : i32
    %mul3A_225 = arith.muli %add3A_223, %mul3A_224 : i32
    %add3A_226 = arith.constant 655360 : i32
    %add3A_227 = arith.addi %add3A_226, %mul3A_225 : i32
    %dma_start3A_228 = arith.constant 13312 : i32
    %dma_start3A_229 = tpu.memref_slice %arg7[%dma_start3A_228] : memref<32768xf32, #tpu.memory_space<vmem>> -> memref<1024xf32, #tpu.memory_space<vmem>>
    %dma_start3A_230 = tpu.memref_slice %arg4[%add3A_227] : memref<1048576xf32, #tpu.memory_space<hbm>> -> memref<1024xf32, #tpu.memory_space<hbm>>
    %dma_start3A_231 = tpu.memref_slice %arg4[%add3A_227] : memref<1048576xf32, #tpu.memory_space<hbm>> -> memref<1024xf32, #tpu.memory_space<hbm>>
    %dma_start3A_232 = arith.constant 13312 : i32
    %dma_start3A_233 = tpu.memref_slice %arg7[%dma_start3A_232] : memref<32768xf32, #tpu.memory_space<vmem>> -> memref<1024xf32, #tpu.memory_space<vmem>>
    tpu.enqueue_dma source(%dma_start3A_233 : memref<1024xf32, #tpu.memory_space<vmem>>) target(%dma_start3A_231 : memref<1024xf32, #tpu.memory_space<hbm>>) target_semaphore(%arg12 : memref<!tpu.dma_semaphore, #tpu.memory_space<semaphore_mem>>)
    %mul3A_234 = arith.constant 4 : i32
    %mul3A_235 = arith.muli %mul3A_234, %add3A : i32
    %add3A_236 = arith.constant 1 : i32
    %add3A_237 = arith.addi %mul3A_235, %add3A_236 : i32
    %mul3A_238 = arith.constant 1024 : i32
    %mul3A_239 = arith.muli %add3A_237, %mul3A_238 : i32
    %add3A_240 = arith.constant 786432 : i32
    %add3A_241 = arith.addi %add3A_240, %mul3A_239 : i32
    %dma_start3A_242 = arith.constant 14336 : i32
    %dma_start3A_243 = tpu.memref_slice %arg7[%dma_start3A_242] : memref<32768xf32, #tpu.memory_space<vmem>> -> memref<1024xf32, #tpu.memory_space<vmem>>
    %dma_start3A_244 = tpu.memref_slice %arg4[%add3A_241] : memref<1048576xf32, #tpu.memory_space<hbm>> -> memref<1024xf32, #tpu.memory_space<hbm>>
    %dma_start3A_245 = tpu.memref_slice %arg4[%add3A_241] : memref<1048576xf32, #tpu.memory_space<hbm>> -> memref<1024xf32, #tpu.memory_space<hbm>>
    %dma_start3A_246 = arith.constant 14336 : i32
    %dma_start3A_247 = tpu.memref_slice %arg7[%dma_start3A_246] : memref<32768xf32, #tpu.memory_space<vmem>> -> memref<1024xf32, #tpu.memory_space<vmem>>
    tpu.enqueue_dma source(%dma_start3A_247 : memref<1024xf32, #tpu.memory_space<vmem>>) target(%dma_start3A_245 : memref<1024xf32, #tpu.memory_space<hbm>>) target_semaphore(%arg12 : memref<!tpu.dma_semaphore, #tpu.memory_space<semaphore_mem>>)
    %mul3A_248 = arith.constant 4 : i32
    %mul3A_249 = arith.muli %mul3A_248, %add3A : i32
    %add3A_250 = arith.constant 1 : i32
    %add3A_251 = arith.addi %mul3A_249, %add3A_250 : i32
    %mul3A_252 = arith.constant 1024 : i32
    %mul3A_253 = arith.muli %add3A_251, %mul3A_252 : i32
    %add3A_254 = arith.constant 917504 : i32
    %add3A_255 = arith.addi %add3A_254, %mul3A_253 : i32
    %dma_start3A_256 = arith.constant 15360 : i32
    %dma_start3A_257 = tpu.memref_slice %arg7[%dma_start3A_256] : memref<32768xf32, #tpu.memory_space<vmem>> -> memref<1024xf32, #tpu.memory_space<vmem>>
    %dma_start3A_258 = tpu.memref_slice %arg4[%add3A_255] : memref<1048576xf32, #tpu.memory_space<hbm>> -> memref<1024xf32, #tpu.memory_space<hbm>>
    %dma_start3A_259 = tpu.memref_slice %arg4[%add3A_255] : memref<1048576xf32, #tpu.memory_space<hbm>> -> memref<1024xf32, #tpu.memory_space<hbm>>
    %dma_start3A_260 = arith.constant 15360 : i32
    %dma_start3A_261 = tpu.memref_slice %arg7[%dma_start3A_260] : memref<32768xf32, #tpu.memory_space<vmem>> -> memref<1024xf32, #tpu.memory_space<vmem>>
    tpu.enqueue_dma source(%dma_start3A_261 : memref<1024xf32, #tpu.memory_space<vmem>>) target(%dma_start3A_259 : memref<1024xf32, #tpu.memory_space<hbm>>) target_semaphore(%arg12 : memref<!tpu.dma_semaphore, #tpu.memory_space<semaphore_mem>>)
    %dma_wait3A_262 = arith.constant 16384 : i32
    %dma_wait3A_263 = tpu.memref_slice %arg7[%dma_wait3A_262] : memref<32768xf32, #tpu.memory_space<vmem>> -> memref<8192xf32, #tpu.memory_space<vmem>>
    %dma_wait3A_264 = arith.constant 0 : i32
    %dma_wait3A_265 = tpu.memref_slice %arg3[%dma_wait3A_264] : memref<67108864xf32, #tpu.memory_space<hbm>> -> memref<8192xf32, #tpu.memory_space<hbm>>
    %dma_wait3A_266 = arith.constant 16384 : i32
    %dma_wait3A_267 = tpu.memref_slice %arg7[%dma_wait3A_266] : memref<32768xf32, #tpu.memory_space<vmem>> -> memref<8192xf32, #tpu.memory_space<vmem>>
    %dma_wait3A_268 = arith.constant 0 : i32
    %dma_wait3A_269 = tpu.memref_slice %arg3[%dma_wait3A_268] : memref<67108864xf32, #tpu.memory_space<hbm>> -> memref<8192xf32, #tpu.memory_space<hbm>>
    tpu.wait_dma2 semaphore(%arg10 : memref<!tpu.dma_semaphore, #tpu.memory_space<semaphore_mem>>) src(%dma_wait3A_269 : memref<8192xf32, #tpu.memory_space<hbm>>) dst(%dma_wait3A_267 : memref<8192xf32, #tpu.memory_space<vmem>>)
    %mul3A_270 = arith.constant 4 : i32
    %mul3A_271 = arith.muli %mul3A_270, %add3A : i32
    %add3A_272 = arith.constant 2 : i32
    %add3A_273 = arith.addi %mul3A_271, %add3A_272 : i32
    %mul3A_274 = arith.constant 1024 : i32
    %mul3A_275 = arith.muli %add3A_273, %mul3A_274 : i32
    %add3A_276 = arith.constant 0 : i32
    %add3A_277 = arith.addi %add3A_276, %mul3A_275 : i32
    %dma_start3A_278 = arith.constant 16384 : i32
    %dma_start3A_279 = tpu.memref_slice %arg7[%dma_start3A_278] : memref<32768xf32, #tpu.memory_space<vmem>> -> memref<1024xf32, #tpu.memory_space<vmem>>
    %dma_start3A_280 = tpu.memref_slice %arg4[%add3A_277] : memref<1048576xf32, #tpu.memory_space<hbm>> -> memref<1024xf32, #tpu.memory_space<hbm>>
    %dma_start3A_281 = tpu.memref_slice %arg4[%add3A_277] : memref<1048576xf32, #tpu.memory_space<hbm>> -> memref<1024xf32, #tpu.memory_space<hbm>>
    %dma_start3A_282 = arith.constant 16384 : i32
    %dma_start3A_283 = tpu.memref_slice %arg7[%dma_start3A_282] : memref<32768xf32, #tpu.memory_space<vmem>> -> memref<1024xf32, #tpu.memory_space<vmem>>
    tpu.enqueue_dma source(%dma_start3A_283 : memref<1024xf32, #tpu.memory_space<vmem>>) target(%dma_start3A_281 : memref<1024xf32, #tpu.memory_space<hbm>>) target_semaphore(%arg12 : memref<!tpu.dma_semaphore, #tpu.memory_space<semaphore_mem>>)
    %mul3A_284 = arith.constant 4 : i32
    %mul3A_285 = arith.muli %mul3A_284, %add3A : i32
    %add3A_286 = arith.constant 2 : i32
    %add3A_287 = arith.addi %mul3A_285, %add3A_286 : i32
    %mul3A_288 = arith.constant 1024 : i32
    %mul3A_289 = arith.muli %add3A_287, %mul3A_288 : i32
    %add3A_290 = arith.constant 131072 : i32
    %add3A_291 = arith.addi %add3A_290, %mul3A_289 : i32
    %dma_start3A_292 = arith.constant 17408 : i32
    %dma_start3A_293 = tpu.memref_slice %arg7[%dma_start3A_292] : memref<32768xf32, #tpu.memory_space<vmem>> -> memref<1024xf32, #tpu.memory_space<vmem>>
    %dma_start3A_294 = tpu.memref_slice %arg4[%add3A_291] : memref<1048576xf32, #tpu.memory_space<hbm>> -> memref<1024xf32, #tpu.memory_space<hbm>>
    %dma_start3A_295 = tpu.memref_slice %arg4[%add3A_291] : memref<1048576xf32, #tpu.memory_space<hbm>> -> memref<1024xf32, #tpu.memory_space<hbm>>
    %dma_start3A_296 = arith.constant 17408 : i32
    %dma_start3A_297 = tpu.memref_slice %arg7[%dma_start3A_296] : memref<32768xf32, #tpu.memory_space<vmem>> -> memref<1024xf32, #tpu.memory_space<vmem>>
    tpu.enqueue_dma source(%dma_start3A_297 : memref<1024xf32, #tpu.memory_space<vmem>>) target(%dma_start3A_295 : memref<1024xf32, #tpu.memory_space<hbm>>) target_semaphore(%arg12 : memref<!tpu.dma_semaphore, #tpu.memory_space<semaphore_mem>>)
    %mul3A_298 = arith.constant 4 : i32
    %mul3A_299 = arith.muli %mul3A_298, %add3A : i32
    %add3A_300 = arith.constant 2 : i32
    %add3A_301 = arith.addi %mul3A_299, %add3A_300 : i32
    %mul3A_302 = arith.constant 1024 : i32
    %mul3A_303 = arith.muli %add3A_301, %mul3A_302 : i32
    %add3A_304 = arith.constant 262144 : i32
    %add3A_305 = arith.addi %add3A_304, %mul3A_303 : i32
    %dma_start3A_306 = arith.constant 18432 : i32
    %dma_start3A_307 = tpu.memref_slice %arg7[%dma_start3A_306] : memref<32768xf32, #tpu.memory_space<vmem>> -> memref<1024xf32, #tpu.memory_space<vmem>>
    %dma_start3A_308 = tpu.memref_slice %arg4[%add3A_305] : memref<1048576xf32, #tpu.memory_space<hbm>> -> memref<1024xf32, #tpu.memory_space<hbm>>
    %dma_start3A_309 = tpu.memref_slice %arg4[%add3A_305] : memref<1048576xf32, #tpu.memory_space<hbm>> -> memref<1024xf32, #tpu.memory_space<hbm>>
    %dma_start3A_310 = arith.constant 18432 : i32
    %dma_start3A_311 = tpu.memref_slice %arg7[%dma_start3A_310] : memref<32768xf32, #tpu.memory_space<vmem>> -> memref<1024xf32, #tpu.memory_space<vmem>>
    tpu.enqueue_dma source(%dma_start3A_311 : memref<1024xf32, #tpu.memory_space<vmem>>) target(%dma_start3A_309 : memref<1024xf32, #tpu.memory_space<hbm>>) target_semaphore(%arg12 : memref<!tpu.dma_semaphore, #tpu.memory_space<semaphore_mem>>)
    %mul3A_312 = arith.constant 4 : i32
    %mul3A_313 = arith.muli %mul3A_312, %add3A : i32
    %add3A_314 = arith.constant 2 : i32
    %add3A_315 = arith.addi %mul3A_313, %add3A_314 : i32
    %mul3A_316 = arith.constant 1024 : i32
    %mul3A_317 = arith.muli %add3A_315, %mul3A_316 : i32
    %add3A_318 = arith.constant 393216 : i32
    %add3A_319 = arith.addi %add3A_318, %mul3A_317 : i32
    %dma_start3A_320 = arith.constant 19456 : i32
    %dma_start3A_321 = tpu.memref_slice %arg7[%dma_start3A_320] : memref<32768xf32, #tpu.memory_space<vmem>> -> memref<1024xf32, #tpu.memory_space<vmem>>
    %dma_start3A_322 = tpu.memref_slice %arg4[%add3A_319] : memref<1048576xf32, #tpu.memory_space<hbm>> -> memref<1024xf32, #tpu.memory_space<hbm>>
    %dma_start3A_323 = tpu.memref_slice %arg4[%add3A_319] : memref<1048576xf32, #tpu.memory_space<hbm>> -> memref<1024xf32, #tpu.memory_space<hbm>>
    %dma_start3A_324 = arith.constant 19456 : i32
    %dma_start3A_325 = tpu.memref_slice %arg7[%dma_start3A_324] : memref<32768xf32, #tpu.memory_space<vmem>> -> memref<1024xf32, #tpu.memory_space<vmem>>
    tpu.enqueue_dma source(%dma_start3A_325 : memref<1024xf32, #tpu.memory_space<vmem>>) target(%dma_start3A_323 : memref<1024xf32, #tpu.memory_space<hbm>>) target_semaphore(%arg12 : memref<!tpu.dma_semaphore, #tpu.memory_space<semaphore_mem>>)
    %mul3A_326 = arith.constant 4 : i32
    %mul3A_327 = arith.muli %mul3A_326, %add3A : i32
    %add3A_328 = arith.constant 2 : i32
    %add3A_329 = arith.addi %mul3A_327, %add3A_328 : i32
    %mul3A_330 = arith.constant 1024 : i32
    %mul3A_331 = arith.muli %add3A_329, %mul3A_330 : i32
    %add3A_332 = arith.constant 524288 : i32
    %add3A_333 = arith.addi %add3A_332, %mul3A_331 : i32
    %dma_start3A_334 = arith.constant 20480 : i32
    %dma_start3A_335 = tpu.memref_slice %arg7[%dma_start3A_334] : memref<32768xf32, #tpu.memory_space<vmem>> -> memref<1024xf32, #tpu.memory_space<vmem>>
    %dma_start3A_336 = tpu.memref_slice %arg4[%add3A_333] : memref<1048576xf32, #tpu.memory_space<hbm>> -> memref<1024xf32, #tpu.memory_space<hbm>>
    %dma_start3A_337 = tpu.memref_slice %arg4[%add3A_333] : memref<1048576xf32, #tpu.memory_space<hbm>> -> memref<1024xf32, #tpu.memory_space<hbm>>
    %dma_start3A_338 = arith.constant 20480 : i32
    %dma_start3A_339 = tpu.memref_slice %arg7[%dma_start3A_338] : memref<32768xf32, #tpu.memory_space<vmem>> -> memref<1024xf32, #tpu.memory_space<vmem>>
    tpu.enqueue_dma source(%dma_start3A_339 : memref<1024xf32, #tpu.memory_space<vmem>>) target(%dma_start3A_337 : memref<1024xf32, #tpu.memory_space<hbm>>) target_semaphore(%arg12 : memref<!tpu.dma_semaphore, #tpu.memory_space<semaphore_mem>>)
    %mul3A_340 = arith.constant 4 : i32
    %mul3A_341 = arith.muli %mul3A_340, %add3A : i32
    %add3A_342 = arith.constant 2 : i32
    %add3A_343 = arith.addi %mul3A_341, %add3A_342 : i32
    %mul3A_344 = arith.constant 1024 : i32
    %mul3A_345 = arith.muli %add3A_343, %mul3A_344 : i32
    %add3A_346 = arith.constant 655360 : i32
    %add3A_347 = arith.addi %add3A_346, %mul3A_345 : i32
    %dma_start3A_348 = arith.constant 21504 : i32
    %dma_start3A_349 = tpu.memref_slice %arg7[%dma_start3A_348] : memref<32768xf32, #tpu.memory_space<vmem>> -> memref<1024xf32, #tpu.memory_space<vmem>>
    %dma_start3A_350 = tpu.memref_slice %arg4[%add3A_347] : memref<1048576xf32, #tpu.memory_space<hbm>> -> memref<1024xf32, #tpu.memory_space<hbm>>
    %dma_start3A_351 = tpu.memref_slice %arg4[%add3A_347] : memref<1048576xf32, #tpu.memory_space<hbm>> -> memref<1024xf32, #tpu.memory_space<hbm>>
    %dma_start3A_352 = arith.constant 21504 : i32
    %dma_start3A_353 = tpu.memref_slice %arg7[%dma_start3A_352] : memref<32768xf32, #tpu.memory_space<vmem>> -> memref<1024xf32, #tpu.memory_space<vmem>>
    tpu.enqueue_dma source(%dma_start3A_353 : memref<1024xf32, #tpu.memory_space<vmem>>) target(%dma_start3A_351 : memref<1024xf32, #tpu.memory_space<hbm>>) target_semaphore(%arg12 : memref<!tpu.dma_semaphore, #tpu.memory_space<semaphore_mem>>)
    %mul3A_354 = arith.constant 4 : i32
    %mul3A_355 = arith.muli %mul3A_354, %add3A : i32
    %add3A_356 = arith.constant 2 : i32
    %add3A_357 = arith.addi %mul3A_355, %add3A_356 : i32
    %mul3A_358 = arith.constant 1024 : i32
    %mul3A_359 = arith.muli %add3A_357, %mul3A_358 : i32
    %add3A_360 = arith.constant 786432 : i32
    %add3A_361 = arith.addi %add3A_360, %mul3A_359 : i32
    %dma_start3A_362 = arith.constant 22528 : i32
    %dma_start3A_363 = tpu.memref_slice %arg7[%dma_start3A_362] : memref<32768xf32, #tpu.memory_space<vmem>> -> memref<1024xf32, #tpu.memory_space<vmem>>
    %dma_start3A_364 = tpu.memref_slice %arg4[%add3A_361] : memref<1048576xf32, #tpu.memory_space<hbm>> -> memref<1024xf32, #tpu.memory_space<hbm>>
    %dma_start3A_365 = tpu.memref_slice %arg4[%add3A_361] : memref<1048576xf32, #tpu.memory_space<hbm>> -> memref<1024xf32, #tpu.memory_space<hbm>>
    %dma_start3A_366 = arith.constant 22528 : i32
    %dma_start3A_367 = tpu.memref_slice %arg7[%dma_start3A_366] : memref<32768xf32, #tpu.memory_space<vmem>> -> memref<1024xf32, #tpu.memory_space<vmem>>
    tpu.enqueue_dma source(%dma_start3A_367 : memref<1024xf32, #tpu.memory_space<vmem>>) target(%dma_start3A_365 : memref<1024xf32, #tpu.memory_space<hbm>>) target_semaphore(%arg12 : memref<!tpu.dma_semaphore, #tpu.memory_space<semaphore_mem>>)
    %mul3A_368 = arith.constant 4 : i32
    %mul3A_369 = arith.muli %mul3A_368, %add3A : i32
    %add3A_370 = arith.constant 2 : i32
    %add3A_371 = arith.addi %mul3A_369, %add3A_370 : i32
    %mul3A_372 = arith.constant 1024 : i32
    %mul3A_373 = arith.muli %add3A_371, %mul3A_372 : i32
    %add3A_374 = arith.constant 917504 : i32
    %add3A_375 = arith.addi %add3A_374, %mul3A_373 : i32
    %dma_start3A_376 = arith.constant 23552 : i32
    %dma_start3A_377 = tpu.memref_slice %arg7[%dma_start3A_376] : memref<32768xf32, #tpu.memory_space<vmem>> -> memref<1024xf32, #tpu.memory_space<vmem>>
    %dma_start3A_378 = tpu.memref_slice %arg4[%add3A_375] : memref<1048576xf32, #tpu.memory_space<hbm>> -> memref<1024xf32, #tpu.memory_space<hbm>>
    %dma_start3A_379 = tpu.memref_slice %arg4[%add3A_375] : memref<1048576xf32, #tpu.memory_space<hbm>> -> memref<1024xf32, #tpu.memory_space<hbm>>
    %dma_start3A_380 = arith.constant 23552 : i32
    %dma_start3A_381 = tpu.memref_slice %arg7[%dma_start3A_380] : memref<32768xf32, #tpu.memory_space<vmem>> -> memref<1024xf32, #tpu.memory_space<vmem>>
    tpu.enqueue_dma source(%dma_start3A_381 : memref<1024xf32, #tpu.memory_space<vmem>>) target(%dma_start3A_379 : memref<1024xf32, #tpu.memory_space<hbm>>) target_semaphore(%arg12 : memref<!tpu.dma_semaphore, #tpu.memory_space<semaphore_mem>>)
    %dma_wait3A_382 = arith.constant 24576 : i32
    %dma_wait3A_383 = tpu.memref_slice %arg7[%dma_wait3A_382] : memref<32768xf32, #tpu.memory_space<vmem>> -> memref<8192xf32, #tpu.memory_space<vmem>>
    %dma_wait3A_384 = arith.constant 0 : i32
    %dma_wait3A_385 = tpu.memref_slice %arg3[%dma_wait3A_384] : memref<67108864xf32, #tpu.memory_space<hbm>> -> memref<8192xf32, #tpu.memory_space<hbm>>
    %dma_wait3A_386 = arith.constant 24576 : i32
    %dma_wait3A_387 = tpu.memref_slice %arg7[%dma_wait3A_386] : memref<32768xf32, #tpu.memory_space<vmem>> -> memref<8192xf32, #tpu.memory_space<vmem>>
    %dma_wait3A_388 = arith.constant 0 : i32
    %dma_wait3A_389 = tpu.memref_slice %arg3[%dma_wait3A_388] : memref<67108864xf32, #tpu.memory_space<hbm>> -> memref<8192xf32, #tpu.memory_space<hbm>>
    tpu.wait_dma2 semaphore(%arg11 : memref<!tpu.dma_semaphore, #tpu.memory_space<semaphore_mem>>) src(%dma_wait3A_389 : memref<8192xf32, #tpu.memory_space<hbm>>) dst(%dma_wait3A_387 : memref<8192xf32, #tpu.memory_space<vmem>>)
    %mul3A_390 = arith.constant 4 : i32
    %mul3A_391 = arith.muli %mul3A_390, %add3A : i32
    %add3A_392 = arith.constant 3 : i32
    %add3A_393 = arith.addi %mul3A_391, %add3A_392 : i32
    %mul3A_394 = arith.constant 1024 : i32
    %mul3A_395 = arith.muli %add3A_393, %mul3A_394 : i32
    %add3A_396 = arith.constant 0 : i32
    %add3A_397 = arith.addi %add3A_396, %mul3A_395 : i32
    %dma_start3A_398 = arith.constant 24576 : i32
    %dma_start3A_399 = tpu.memref_slice %arg7[%dma_start3A_398] : memref<32768xf32, #tpu.memory_space<vmem>> -> memref<1024xf32, #tpu.memory_space<vmem>>
    %dma_start3A_400 = tpu.memref_slice %arg4[%add3A_397] : memref<1048576xf32, #tpu.memory_space<hbm>> -> memref<1024xf32, #tpu.memory_space<hbm>>
    %dma_start3A_401 = tpu.memref_slice %arg4[%add3A_397] : memref<1048576xf32, #tpu.memory_space<hbm>> -> memref<1024xf32, #tpu.memory_space<hbm>>
    %dma_start3A_402 = arith.constant 24576 : i32
    %dma_start3A_403 = tpu.memref_slice %arg7[%dma_start3A_402] : memref<32768xf32, #tpu.memory_space<vmem>> -> memref<1024xf32, #tpu.memory_space<vmem>>
    tpu.enqueue_dma source(%dma_start3A_403 : memref<1024xf32, #tpu.memory_space<vmem>>) target(%dma_start3A_401 : memref<1024xf32, #tpu.memory_space<hbm>>) target_semaphore(%arg12 : memref<!tpu.dma_semaphore, #tpu.memory_space<semaphore_mem>>)
    %mul3A_404 = arith.constant 4 : i32
    %mul3A_405 = arith.muli %mul3A_404, %add3A : i32
    %add3A_406 = arith.constant 3 : i32
    %add3A_407 = arith.addi %mul3A_405, %add3A_406 : i32
    %mul3A_408 = arith.constant 1024 : i32
    %mul3A_409 = arith.muli %add3A_407, %mul3A_408 : i32
    %add3A_410 = arith.constant 131072 : i32
    %add3A_411 = arith.addi %add3A_410, %mul3A_409 : i32
    %dma_start3A_412 = arith.constant 25600 : i32
    %dma_start3A_413 = tpu.memref_slice %arg7[%dma_start3A_412] : memref<32768xf32, #tpu.memory_space<vmem>> -> memref<1024xf32, #tpu.memory_space<vmem>>
    %dma_start3A_414 = tpu.memref_slice %arg4[%add3A_411] : memref<1048576xf32, #tpu.memory_space<hbm>> -> memref<1024xf32, #tpu.memory_space<hbm>>
    %dma_start3A_415 = tpu.memref_slice %arg4[%add3A_411] : memref<1048576xf32, #tpu.memory_space<hbm>> -> memref<1024xf32, #tpu.memory_space<hbm>>
    %dma_start3A_416 = arith.constant 25600 : i32
    %dma_start3A_417 = tpu.memref_slice %arg7[%dma_start3A_416] : memref<32768xf32, #tpu.memory_space<vmem>> -> memref<1024xf32, #tpu.memory_space<vmem>>
    tpu.enqueue_dma source(%dma_start3A_417 : memref<1024xf32, #tpu.memory_space<vmem>>) target(%dma_start3A_415 : memref<1024xf32, #tpu.memory_space<hbm>>) target_semaphore(%arg12 : memref<!tpu.dma_semaphore, #tpu.memory_space<semaphore_mem>>)
    %mul3A_418 = arith.constant 4 : i32
    %mul3A_419 = arith.muli %mul3A_418, %add3A : i32
    %add3A_420 = arith.constant 3 : i32
    %add3A_421 = arith.addi %mul3A_419, %add3A_420 : i32
    %mul3A_422 = arith.constant 1024 : i32
    %mul3A_423 = arith.muli %add3A_421, %mul3A_422 : i32
    %add3A_424 = arith.constant 262144 : i32
    %add3A_425 = arith.addi %add3A_424, %mul3A_423 : i32
    %dma_start3A_426 = arith.constant 26624 : i32
    %dma_start3A_427 = tpu.memref_slice %arg7[%dma_start3A_426] : memref<32768xf32, #tpu.memory_space<vmem>> -> memref<1024xf32, #tpu.memory_space<vmem>>
    %dma_start3A_428 = tpu.memref_slice %arg4[%add3A_425] : memref<1048576xf32, #tpu.memory_space<hbm>> -> memref<1024xf32, #tpu.memory_space<hbm>>
    %dma_start3A_429 = tpu.memref_slice %arg4[%add3A_425] : memref<1048576xf32, #tpu.memory_space<hbm>> -> memref<1024xf32, #tpu.memory_space<hbm>>
    %dma_start3A_430 = arith.constant 26624 : i32
    %dma_start3A_431 = tpu.memref_slice %arg7[%dma_start3A_430] : memref<32768xf32, #tpu.memory_space<vmem>> -> memref<1024xf32, #tpu.memory_space<vmem>>
    tpu.enqueue_dma source(%dma_start3A_431 : memref<1024xf32, #tpu.memory_space<vmem>>) target(%dma_start3A_429 : memref<1024xf32, #tpu.memory_space<hbm>>) target_semaphore(%arg12 : memref<!tpu.dma_semaphore, #tpu.memory_space<semaphore_mem>>)
    %mul3A_432 = arith.constant 4 : i32
    %mul3A_433 = arith.muli %mul3A_432, %add3A : i32
    %add3A_434 = arith.constant 3 : i32
    %add3A_435 = arith.addi %mul3A_433, %add3A_434 : i32
    %mul3A_436 = arith.constant 1024 : i32
    %mul3A_437 = arith.muli %add3A_435, %mul3A_436 : i32
    %add3A_438 = arith.constant 393216 : i32
    %add3A_439 = arith.addi %add3A_438, %mul3A_437 : i32
    %dma_start3A_440 = arith.constant 27648 : i32
    %dma_start3A_441 = tpu.memref_slice %arg7[%dma_start3A_440] : memref<32768xf32, #tpu.memory_space<vmem>> -> memref<1024xf32, #tpu.memory_space<vmem>>
    %dma_start3A_442 = tpu.memref_slice %arg4[%add3A_439] : memref<1048576xf32, #tpu.memory_space<hbm>> -> memref<1024xf32, #tpu.memory_space<hbm>>
    %dma_start3A_443 = tpu.memref_slice %arg4[%add3A_439] : memref<1048576xf32, #tpu.memory_space<hbm>> -> memref<1024xf32, #tpu.memory_space<hbm>>
    %dma_start3A_444 = arith.constant 27648 : i32
    %dma_start3A_445 = tpu.memref_slice %arg7[%dma_start3A_444] : memref<32768xf32, #tpu.memory_space<vmem>> -> memref<1024xf32, #tpu.memory_space<vmem>>
    tpu.enqueue_dma source(%dma_start3A_445 : memref<1024xf32, #tpu.memory_space<vmem>>) target(%dma_start3A_443 : memref<1024xf32, #tpu.memory_space<hbm>>) target_semaphore(%arg12 : memref<!tpu.dma_semaphore, #tpu.memory_space<semaphore_mem>>)
    %mul3A_446 = arith.constant 4 : i32
    %mul3A_447 = arith.muli %mul3A_446, %add3A : i32
    %add3A_448 = arith.constant 3 : i32
    %add3A_449 = arith.addi %mul3A_447, %add3A_448 : i32
    %mul3A_450 = arith.constant 1024 : i32
    %mul3A_451 = arith.muli %add3A_449, %mul3A_450 : i32
    %add3A_452 = arith.constant 524288 : i32
    %add3A_453 = arith.addi %add3A_452, %mul3A_451 : i32
    %dma_start3A_454 = arith.constant 28672 : i32
    %dma_start3A_455 = tpu.memref_slice %arg7[%dma_start3A_454] : memref<32768xf32, #tpu.memory_space<vmem>> -> memref<1024xf32, #tpu.memory_space<vmem>>
    %dma_start3A_456 = tpu.memref_slice %arg4[%add3A_453] : memref<1048576xf32, #tpu.memory_space<hbm>> -> memref<1024xf32, #tpu.memory_space<hbm>>
    %dma_start3A_457 = tpu.memref_slice %arg4[%add3A_453] : memref<1048576xf32, #tpu.memory_space<hbm>> -> memref<1024xf32, #tpu.memory_space<hbm>>
    %dma_start3A_458 = arith.constant 28672 : i32
    %dma_start3A_459 = tpu.memref_slice %arg7[%dma_start3A_458] : memref<32768xf32, #tpu.memory_space<vmem>> -> memref<1024xf32, #tpu.memory_space<vmem>>
    tpu.enqueue_dma source(%dma_start3A_459 : memref<1024xf32, #tpu.memory_space<vmem>>) target(%dma_start3A_457 : memref<1024xf32, #tpu.memory_space<hbm>>) target_semaphore(%arg12 : memref<!tpu.dma_semaphore, #tpu.memory_space<semaphore_mem>>)
    %mul3A_460 = arith.constant 4 : i32
    %mul3A_461 = arith.muli %mul3A_460, %add3A : i32
    %add3A_462 = arith.constant 3 : i32
    %add3A_463 = arith.addi %mul3A_461, %add3A_462 : i32
    %mul3A_464 = arith.constant 1024 : i32
    %mul3A_465 = arith.muli %add3A_463, %mul3A_464 : i32
    %add3A_466 = arith.constant 655360 : i32
    %add3A_467 = arith.addi %add3A_466, %mul3A_465 : i32
    %dma_start3A_468 = arith.constant 29696 : i32
    %dma_start3A_469 = tpu.memref_slice %arg7[%dma_start3A_468] : memref<32768xf32, #tpu.memory_space<vmem>> -> memref<1024xf32, #tpu.memory_space<vmem>>
    %dma_start3A_470 = tpu.memref_slice %arg4[%add3A_467] : memref<1048576xf32, #tpu.memory_space<hbm>> -> memref<1024xf32, #tpu.memory_space<hbm>>
    %dma_start3A_471 = tpu.memref_slice %arg4[%add3A_467] : memref<1048576xf32, #tpu.memory_space<hbm>> -> memref<1024xf32, #tpu.memory_space<hbm>>
    %dma_start3A_472 = arith.constant 29696 : i32
    %dma_start3A_473 = tpu.memref_slice %arg7[%dma_start3A_472] : memref<32768xf32, #tpu.memory_space<vmem>> -> memref<1024xf32, #tpu.memory_space<vmem>>
    tpu.enqueue_dma source(%dma_start3A_473 : memref<1024xf32, #tpu.memory_space<vmem>>) target(%dma_start3A_471 : memref<1024xf32, #tpu.memory_space<hbm>>) target_semaphore(%arg12 : memref<!tpu.dma_semaphore, #tpu.memory_space<semaphore_mem>>)
    %mul3A_474 = arith.constant 4 : i32
    %mul3A_475 = arith.muli %mul3A_474, %add3A : i32
    %add3A_476 = arith.constant 3 : i32
    %add3A_477 = arith.addi %mul3A_475, %add3A_476 : i32
    %mul3A_478 = arith.constant 1024 : i32
    %mul3A_479 = arith.muli %add3A_477, %mul3A_478 : i32
    %add3A_480 = arith.constant 786432 : i32
    %add3A_481 = arith.addi %add3A_480, %mul3A_479 : i32
    %dma_start3A_482 = arith.constant 30720 : i32
    %dma_start3A_483 = tpu.memref_slice %arg7[%dma_start3A_482] : memref<32768xf32, #tpu.memory_space<vmem>> -> memref<1024xf32, #tpu.memory_space<vmem>>
    %dma_start3A_484 = tpu.memref_slice %arg4[%add3A_481] : memref<1048576xf32, #tpu.memory_space<hbm>> -> memref<1024xf32, #tpu.memory_space<hbm>>
    %dma_start3A_485 = tpu.memref_slice %arg4[%add3A_481] : memref<1048576xf32, #tpu.memory_space<hbm>> -> memref<1024xf32, #tpu.memory_space<hbm>>
    %dma_start3A_486 = arith.constant 30720 : i32
    %dma_start3A_487 = tpu.memref_slice %arg7[%dma_start3A_486] : memref<32768xf32, #tpu.memory_space<vmem>> -> memref<1024xf32, #tpu.memory_space<vmem>>
    tpu.enqueue_dma source(%dma_start3A_487 : memref<1024xf32, #tpu.memory_space<vmem>>) target(%dma_start3A_485 : memref<1024xf32, #tpu.memory_space<hbm>>) target_semaphore(%arg12 : memref<!tpu.dma_semaphore, #tpu.memory_space<semaphore_mem>>)
    %mul3A_488 = arith.constant 4 : i32
    %mul3A_489 = arith.muli %mul3A_488, %add3A : i32
    %add3A_490 = arith.constant 3 : i32
    %add3A_491 = arith.addi %mul3A_489, %add3A_490 : i32
    %mul3A_492 = arith.constant 1024 : i32
    %mul3A_493 = arith.muli %add3A_491, %mul3A_492 : i32
    %add3A_494 = arith.constant 917504 : i32
    %add3A_495 = arith.addi %add3A_494, %mul3A_493 : i32
    %dma_start3A_496 = arith.constant 31744 : i32
    %dma_start3A_497 = tpu.memref_slice %arg7[%dma_start3A_496] : memref<32768xf32, #tpu.memory_space<vmem>> -> memref<1024xf32, #tpu.memory_space<vmem>>
    %dma_start3A_498 = tpu.memref_slice %arg4[%add3A_495] : memref<1048576xf32, #tpu.memory_space<hbm>> -> memref<1024xf32, #tpu.memory_space<hbm>>
    %dma_start3A_499 = tpu.memref_slice %arg4[%add3A_495] : memref<1048576xf32, #tpu.memory_space<hbm>> -> memref<1024xf32, #tpu.memory_space<hbm>>
    %dma_start3A_500 = arith.constant 31744 : i32
    %dma_start3A_501 = tpu.memref_slice %arg7[%dma_start3A_500] : memref<32768xf32, #tpu.memory_space<vmem>> -> memref<1024xf32, #tpu.memory_space<vmem>>
    tpu.enqueue_dma source(%dma_start3A_501 : memref<1024xf32, #tpu.memory_space<vmem>>) target(%dma_start3A_499 : memref<1024xf32, #tpu.memory_space<hbm>>) target_semaphore(%arg12 : memref<!tpu.dma_semaphore, #tpu.memory_space<semaphore_mem>>)
    %dma_wait3A_502 = arith.constant 0 : i32
    %dma_wait3A_503 = tpu.memref_slice %arg4[%dma_wait3A_502] : memref<1048576xf32, #tpu.memory_space<hbm>> -> memref<32768xf32, #tpu.memory_space<hbm>>
    %dma_wait3A_504 = arith.constant 0 : i32
    %dma_wait3A_505 = tpu.memref_slice %arg4[%dma_wait3A_504] : memref<1048576xf32, #tpu.memory_space<hbm>> -> memref<32768xf32, #tpu.memory_space<hbm>>
    tpu.wait_dma2 semaphore(%arg12 : memref<!tpu.dma_semaphore, #tpu.memory_space<semaphore_mem>>) src(%arg7 : memref<32768xf32, #tpu.memory_space<vmem>>) dst(%dma_wait3A_505 : memref<32768xf32, #tpu.memory_space<hbm>>)
    return
  }
}

</mosaic_0001>

<sc_bundles>
// kernel: kernel.3.cloned.1.call-start
scs
__scs_entry_jumppad:
0x0: {  	(pc) =	sbr.rel $0x88, $3  }
0x1: {  	(tag) =	ssettag $0x0;
	lr =	simm.s32 $0x1  }
0x2: {  	[smem:$0x3F9F] =	sst lr;
	_ =	strace $0xD0000000  }
0x3: {  	_ = 	snop  }
0x4: {  	_ = 	snop  }
0x5: {  	_ = 	snop  }
0x6: {  	_ = 	snop  }
0x7: {  	_ = 	snop  }
__scs_overlays_trampoline_lowered:
0x8: {  	[smem:$0x3FAE] =	sst s0  }
0x9: {  	[smem:$0x3FAF] =	sst s1  }
0xa: {  	[smem:$0x3FB0] =	sst s2  }
0xb: {  	[smem:$0x3FB1] =	sst s3  }
0xc: {  	[smem:$0x3FB2] =	sst s4  }
0xd: {  	[smem:$0x3FB3] =	sst s5  }
0xe: {  	[smem:$0x3FB4] =	sst s6  }
0xf: {  	[smem:$0x3FB5] =	sst s7  }
0x10: {  	[smem:$0x3FB6] =	sst s8  }
0x11: {  	[smem:$0x3FB7] =	sst s9;
	s0 =	simm.s32 @!p0 $0x0  }
0x12: {  	s1 =	sld [smem:$0x3F9D];
	s0 =	simm.s32 @p0 $0x1  }
0x13: {  	[smem:$0x3FB8] =	sst s0;
	s0 =	simm.s32 @!p1 $0x0  }
0x14: {  	s2 =	sld [smem:$0x3F9C];
	s0 =	simm.s32 @p1 $0x1  }
0x15: {  	[smem:$0x3FB9] =	sst s0;
	s0 =	simm.s32 @!p2 $0x0  }
0x16: {  	s3 =	sld [smem:$0x3FDB];
	s0 =	simm.s32 @p2 $0x1  }
0x17: {  	s4 =	simm.s32 $0x1BF5;
	[smem:$0x3FBB] =	sst s0  }
0x18: {  	s0 =	sld [smem:$0x3F9E];
	_ =	swait.ge [sflag:s4], $0x0  }
0x19: {  	s7 =	sld [smem:$0x3F9F]  }
0x1a: {  	s8 =	sadd.s32 $0xFFFFE003, lr  }
0x1b: {  	s9 =	sadd.s32 $0xFFFFFEF7, lr;
	s5 =	simm.s32 $0xFFFFFFFF;
	p2 =	slt.u32 s8, $0xFFFFF086  }
0x1c: {  	p1 =	slt.u32 s9, $0xF7A;
	s5 =	simm.s32 @!p2 $0x0  }
0x1d: {  	s5 =	simm.s32 @p1 $0x1;
	p0 =	seq.s32 s7, s2  }
0x1e: {  	s7 =	smul.u32 @!p0 $0xF7A, s2;
	p2 =	seq.s32 @!p0 s5, $0x0  }
0x1f: {  	s9 =	smul.u32 $0xF7A, s1;
	s8 =	simm.s32 @!p0 $0x1BF5;
	p2 =	por !p2, p0  }
0x20: {  	[sflag:s8] =	ssyncset.s32 @!p0 $0xFFFFF086;
	s6 =	sadd.s32 @!p0 s3, s7;
	s7 =	simm.s32 @!p0 $0x108  }
0x21: {  	s3 =	sadd.s32 s3, s9;
	s6 =	sadd.s32 @!p0 $0x88, s6;
	s7 =	simm.s32 @p2 $0x1082  }
0x22: {  	[simem:s7], [sflag:s8] =	dma.local @!p0 [hbm:s6], $0xF7A  }
0x23: {  	s9 =	sor.u32 $0xD0000000, s2;
	s6 =	simm.s32 $0x108;
	_ =	swait.ge @!p0 [sflag:s8], $0x0  }
0x24: {  	s3 =	sadd.s32 $0x88, s3;
	s6 =	simm.s32 @!p1 $0x1082;
	[sflag:s4] =	ssyncset.s32 $0xFFFFF086  }
0x25: {  	[simem:s6], [sflag:s4] =	dma.local [hbm:s3], $0xF7A  }
0x26: {  	[smem:$0x3F9F] =	sst s1;
	(tag) =	ssettag s2;
	_ =	strace s9  }
0x27: {  	s1 =	sld [smem:$0x3FAF]  }
0x28: {  	s2 =	sld [smem:$0x3FB0]  }
0x29: {  	s4 =	sld [smem:$0x3FB2]  }
0x2a: {  	p0 =	seq.s32 s5, $0x0;
	s5 =	sld [smem:$0x3FB3]  }
0x2b: {  	s6 =	sld [smem:$0x3FB4]  }
0x2c: {  	s7 =	sld [smem:$0x3FB5]  }
0x2d: {  	s3 =	simm.s32 $0x108;
	s8 =	sld [smem:$0x3FB6]  }
0x2e: {  	s3 =	simm.s32 @!p0 $0x1082;
	s9 =	sld [smem:$0x3FB7]  }
0x2f: {  	lr =	sadd.s32 s0, s3;
	s0 =	sld [smem:$0x3FAE]  }
0x30: {  	s3 =	sld [smem:$0x3FB1]  }
0x31: {  	[smem:$0x3FBA] =	sst s10  }
0x32: {  	s10 =	sld [smem:$0x3FB8];
	_ =	sdelay $0x3  }
0x33: {  	p0 =	seq.s32 s10, $0x1;
	s10 =	sld [smem:$0x3FBA];
	_ =	sdelay $0x3  }
0x34: {  	[smem:$0x3FBA] =	sst s10  }
0x35: {  	s10 =	sld [smem:$0x3FB9];
	_ =	sdelay $0x3  }
0x36: {  	p1 =	seq.s32 s10, $0x1;
	s10 =	sld [smem:$0x3FBA];
	_ =	sdelay $0x3  }
0x37: {  	[smem:$0x3FBA] =	sst s10  }
0x38: {  	s10 =	sld [smem:$0x3FBB]  }
0x39: {  	_ = 	snop;
	(pc) =	sbr.ind lr, $3  }
0x3a: {  	_ = 	snop  }
0x3b: {  	_ = 	snop  }
0x3c: {  	p2 =	seq.s32 s10, $0x1;
	s10 =	sld [smem:$0x3FBA]  }
0x3d: {  	_ =	shalt  }
0x3e: {  	_ =	shalt  }
0x3f: {  	_ =	shalt  }
0x40: {  	_ =	shalt  }
0x41: {  	_ =	shalt  }
0x42: {  	_ =	shalt  }
0x43: {  	_ =	shalt  }
0x44: {  	_ =	shalt  }
0x45: {  	_ =	shalt  }
0x46: {  	_ =	shalt  }
0x47: {  	_ =	shalt  }
0x48: {  	_ =	shalt  }
0x49: {  	_ =	shalt  }
0x4a: {  	_ =	shalt  }
0x4b: {  	_ =	shalt  }
0x4c: {  	_ =	shalt  }
0x4d: {  	_ =	shalt  }
0x4e: {  	_ =	shalt  }
0x4f: {  	_ =	shalt  }
0x50: {  	_ =	shalt  }
0x51: {  	_ =	shalt  }
0x52: {  	_ =	shalt  }
0x53: {  	_ =	shalt  }
0x54: {  	_ =	shalt  }
0x55: {  	_ =	shalt  }
0x56: {  	_ =	shalt  }
0x57: {  	_ =	shalt  }
0x58: {  	_ =	shalt  }
0x59: {  	_ =	shalt  }
0x5a: {  	_ =	shalt  }
0x5b: {  	_ =	shalt  }
0x5c: {  	_ =	shalt  }
0x5d: {  	_ =	shalt  }
0x5e: {  	_ =	shalt  }
0x5f: {  	_ =	shalt  }
0x60: {  	_ =	shalt  }
0x61: {  	_ =	shalt  }
0x62: {  	_ =	shalt  }
0x63: {  	_ =	shalt  }
0x64: {  	_ =	shalt  }
0x65: {  	_ =	shalt  }
0x66: {  	_ =	shalt  }
0x67: {  	_ =	shalt  }
0x68: {  	_ =	shalt  }
0x69: {  	_ =	shalt  }
0x6a: {  	_ =	shalt  }
0x6b: {  	_ =	shalt  }
0x6c: {  	_ =	shalt  }
0x6d: {  	_ =	shalt  }
0x6e: {  	_ =	shalt  }
0x6f: {  	_ =	shalt  }
0x70: {  	_ =	shalt  }
0x71: {  	_ =	shalt  }
0x72: {  	_ =	shalt  }
0x73: {  	_ =	shalt  }
0x74: {  	_ =	shalt  }
0x75: {  	_ =	shalt  }
0x76: {  	_ =	shalt  }
0x77: {  	_ =	shalt  }
0x78: {  	_ =	shalt  }
0x79: {  	_ =	shalt  }
0x7a: {  	_ =	shalt  }
0x7b: {  	_ =	shalt  }
0x7c: {  	_ =	shalt  }
0x7d: {  	_ =	shalt  }
0x7e: {  	_ =	shalt  }
0x7f: {  	_ =	shalt  }
0x80: {  	_ =	shalt  }
0x81: {  	_ =	shalt  }
0x82: {  	_ =	shalt  }
0x83: {  	_ =	shalt  }
0x84: {  	_ =	shalt  }
0x85: {  	_ =	shalt  }
0x86: {  	_ =	shalt  }
0x87: {  	_ =	shalt  }
.Lfunc_end0:
.L_simem_size_0:
called_computation_lowered:
.L_overlay_start_0:
0x88: {  	s2 =	sld [smem:$0x3FD9]  }
0x89: {  	s3 =	sld [smem:$0x3FFE];
	_ =	sdelay $0x1  }
0x8a: {  	s1 =	srdreg.scid  }
0x8b: {  	s0 =	sand.u32 $0x1, s1  }
0x8c: {  	s17 =	sshll.u32 s0, $0xA;
	s2 =	sadd.s32 s3, s2  }
0x8d: {  	s2 =	sadd.s32 s2, s17  }
0x8e: {  	[smem:$0x3FC6] =	sst s2  }
0x8f: {  	_ = 	snop  }
0x90: {  	s2 =	sld [smem:$0x3FC8]  }
0x91: {  	s18 =	sld [smem:$0x3FD0];
	(tm) =	ssettm $0x1  }
0x92: {  	s4 =	sld [smem:$0x3FFB];
	_ =	sdelay $0x3  }
0x93: {  	_ =	strace s4  }
0x94: {  	s4 =	sld [smem:$0x3FFC];
	_ =	sdelay $0x3  }
0x95: {  	_ =	strace s4  }
0x96: {  	s4 =	sld [smem:$0x3FFD];
	_ =	sdelay $0x3  }
0x97: {  	_ =	strace s4  }
0x98: {  	_ =	strace $0x8FFFFFFF  }
0x99: {  	s19 =	sld [smem:$0x3FDB];
	_ =	sdelay $0x1  }
0x9a: {  	s5 =	simm.s32 $_scs_section_size  }
0x9b: {  	s6 =	simm.s32 $_size__tile_overlayer_lowered;
	s7 =	simm.s32 $_tile_overlayer_lowered  }
0x9c: {  	s22 =	simm.s32 $0x1BFF;
	s21 =	sshll.u32 s7, $0x1;
	s4 =	sadd.s32 s5, s19  }
0x9d: {  	s8 =	simm.s32 $0x0;
	s20 =	sshll.u32 s6, $0x1;
	s6 =	sadd.s32 s21, s4  }
0x9e: {  	[timem:s8], [sflag:s22] =	dma.local [hbm:s6], s20  }
0x9f: {  	_ =	swait.ge [sflag:s22], s20  }
0xa0: {  	s5 =	ssub.s32 $0x0, s20;
	[sflag:s22] =	ssyncset.done $0x0  }
0xa1: {  	[sflag:s22] =	ssyncadd.s32 s5;
	_ =	sdelay $0x1  }
0xa2: {  	s23 =	simm.s32 $0x1B8B  }
0xa3: {  	_ =	swait.ge [sflag:s23], $0x1  }
0xa4: {  	[sflag:s23] =	ssyncset.done $0x0  }
0xa5: {  	s25 =	simm.s32 $0x1B8E;
	s24 =	sld [smem:$0x3FFE];
	[sflag:s23] =	ssyncadd.s32 $0xFFFFFFFF  }
0xa6: {  	s26 =	simm.s32 $execute0_lowered;
	[smem:$0x3FD2] =	sst s25  }
0xa7: {  	s6 =	sshll.u32 s26, $0x1;
	_ =	strace $0x80000046;
	[dreg:$0x1] =	wrdreg $0xFFFFFFFF  }
0xa8: {  	s28 =	simm.s32 $_size_execute0_lowered;
	s4 =	sadd.s32 s4, s6;
	[dreg:$0x0] =	wrdreg $0x0  }
0xa9: {  	s6 =	sshll.u32 s28, $0x1;
	[dreg:$0x2] =	wrdreg s4  }
0xaa: {  	[dreg:$0x3] =	wrdreg s6  }
0xab: {  	[dreg:$0x4] =	wrdreg $0xC0  }
0xac: {  	_ =	task [dreg:s8], $0x5FFFF  }
0xad: {  	[dreg:$0x1] =	wrdreg $0xFFFFFFFF  }
0xae: {  	[dreg:$0x0] =	wrdreg $0x60  }
0xaf: {  	[dreg:$0x2] =	wrdreg s24  }
0xb0: {  	[dreg:$0x3] =	wrdreg s2  }
0xb1: {  	[dreg:$0x4] =	wrdreg s18  }
0xb2: {  	[dreg:$0x5] =	wrdreg $0x9  }
0xb3: {  	_ =	task.clear_ibuf [dreg:s8], $0x6FFFF;
	_ =	strace $0x90000046  }
0xb4: {  	s29 =	simm.s32 $0x9;
	_ =	strace $0x80000048  }
0xb5: {  	_ =	swait.ge [sflag:s29], $0x1  }
0xb6: {  	[sflag:s29] =	ssyncadd.s32 $0xFFFFFFFF  }
0xb7: {  	_ =	strace $0x90000048  }
0xb8: {  	_ =	sfence  }
0xb9: {  	s30 =	sld [smem:$0x0];
	_ =	sdelay $0x2  }
0xba: {  	s31 =	sshll.u32 s1, $0xD;
	s1 =	sshrl.u32 s1, $0x2  }
0xbb: {  	s3 =	sand.u32 $0x4000, s31;
	s1 =	sadd.s32 s1, s30  }
0xbc: {  	s0 =	sor.u32 s3, s0;
	s1 =	sshll.u32 s1, $0x11  }
0xbd: {  	s0 =	sor.u32 s1, s0  }
0xbe: {  	s0 =	sadd.s32 $0x8F2B, s0  }
0xbf: {  	[sflag:s0] =	ssyncadd.remote.s32 $0x1  }
0xc0: {  	_ =	sfence.sel $0xFFFF  }
0xc1: {  	[dreg:$0x0] =	wrdreg $0xFFFFFFFF;
	(pc) =	sbr.abs _section_cstart, $3  }
0xc2: {  	[dreg:$0x1] =	wrdreg $0xFFFFFFFF  }
0xc3: {  	_ =	task.clear_ibuf [dreg:s8], $0x2FFFF;
	_ =	strace $0x9FFFFFFF  }
0xc4: {  	(tm) =	ssettm $0x7FFFFFFF  }
0xc5: {  	_ =	shalt  }
tec
execute0_lowered:
.L_overlay_start_1:
0x0: {  	(tag) =	ssettag $0x1  }
0x1: {  	s0 =	rddreg [dreg:$0x0]  }
0x2: {  	s1 =	rddreg [dreg:$0x1]  }
0x3: {  	s3 =	rddreg [dreg:$0x2];
	s4 =	srdreg.scid  }
0x4: {  	s2 =	simm.s32 $0x0;
	s7 =	stileid.u32;
	s4 =	sand.u32 $0x1, s4  }
0x5: {  	s7 =	sshll.u32 s7, $0xA;
	s5 =	ssub.s32 $0x2, s4;
	s4 =	sshll.u32 s4, $0x9  }
0x6: {  	[smem:$0x7FF] =	sst s2;
	s0 =	sadd.s32 $0x400, s0;
	s4 =	sor.u32 s4, s7  }
0x7: {  	_ =	strace $0x80000047;
	s25 =	sadd.s32 s0, s4;
	s26 =	sor.u32 $0x4000, s4  }
0x8: {  	s8 =	sor.u32 $0x8000, s4;
	[dreg:$0x4] =	wrdreg s25;
	s28 =	sadd.s32 s0, s26  }
0x9: {  	s6 =	sshrl.u32 s5, $0x1;
	s0 =	sadd.s32 s0, s8;
	[dreg:$0x5] =	wrdreg s28  }
0xa: {  	s5 =	ssub.s32 s5, s6;
	s6 =	sadd.s32 s3, s26;
	[dreg:$0x6] =	wrdreg s0  }
0xb: {  	s7 =	sadd.s32 s3, s4;
	s9 =	sadd.s32 s3, s8;
	[dreg:$0x7] =	wrdreg s6  }
0xc: {  	s10 =	sadd.s32 $0xC000, s7;
	[dreg:$0x8] =	wrdreg s9  }
0xd: {  	s11 =	sadd.s32 $0x10000, s7;
	[dreg:$0x9] =	wrdreg s10  }
0xe: {  	s12 =	sadd.s32 $0x14000, s7;
	[dreg:$0xa] =	wrdreg s11  }
0xf: {  	s13 =	sadd.s32 $0x18000, s7;
	[dreg:$0xb] =	wrdreg s12  }
0x10: {  	s14 =	sadd.s32 $0x1C000, s7;
	[dreg:$0xc] =	wrdreg s13  }
0x11: {  	s15 =	sadd.s32 $0x80, s7;
	[dreg:$0xd] =	wrdreg s14  }
0x12: {  	s16 =	sadd.s32 $0x4080, s7;
	[dreg:$0xe] =	wrdreg s15  }
0x13: {  	s17 =	sadd.s32 $0x8080, s7;
	[dreg:$0xf] =	wrdreg s16  }
0x14: {  	s18 =	sadd.s32 $0xC080, s7;
	[dreg:$0x10] =	wrdreg s17  }
0x15: {  	s19 =	sadd.s32 $0x10080, s7;
	[dreg:$0x11] =	wrdreg s18  }
0x16: {  	s20 =	sadd.s32 $0x14080, s7;
	[dreg:$0x12] =	wrdreg s19  }
0x17: {  	s21 =	sadd.s32 $0x18080, s7;
	[dreg:$0x13] =	wrdreg s20  }
0x18: {  	s22 =	sadd.s32 $0x1C080, s7;
	s23 =	sadd.s32 $0x100, s7;
	[dreg:$0x14] =	wrdreg s21  }
0x19: {  	s24 =	sadd.s32 $0x4100, s7;
	s25 =	smax.u32 s5, $0x1;
	[dreg:$0x15] =	wrdreg s22  }
0x1a: {  	s26 =	sadd.s32 $0x8100, s7;
	s29 =	sadd.s32 $0x10100, s7;
	[dreg:$0x16] =	wrdreg s23  }
0x1b: {  	s30 =	sadd.s32 $0x14100, s7;
	s31 =	sadd.s32 $0x18100, s7;
	[dreg:$0x17] =	wrdreg s24  }
0x1c: {  	s3 =	sadd.s32 $0x180, s7;
	s4 =	sadd.s32 $0x4180, s7;
	[dreg:$0x18] =	wrdreg s25  }
0x1d: {  	s5 =	sadd.s32 $0x8180, s7;
	s8 =	sadd.s32 $0x10180, s7;
	[dreg:$0x19] =	wrdreg s26  }
0x1e: {  	s28 =	sadd.s32 $0xC100, s7;
	s0 =	sadd.s32 $0x1C100, s7;
	s6 =	sadd.s32 $0xC180, s7  }
0x1f: {  	s9 =	sadd.s32 $0x14180, s7;
	s10 =	sadd.s32 $0x18180, s7;
	s11 =	sadd.s32 $0x1C180, s7  }
0x20: {  	s12 =	simm.s32 $0x6;
	s13 =	simm.s32 $0x2000;
	s14 =	simm.s32 $0x7000  }
0x21: {  	s15 =	simm.s32 $0xF000;
	s16 =	simm.s32 $0x11000;
	s17 =	simm.s32 $0x1  }
0x22: {  	s18 =	simm.s32 $0x2;
	s19 =	simm.s32 $0x3;
	s20 =	simm.s32 $0x4  }
0x23: {  	v0 =	vimm.s32 $0x0;
	s21 =	simm.s32 $0x5;
	s22 =	simm.s32 $0x0;
	[dreg:$0x1a] =	wrdreg s28  }
.LBB2_1:
0x24: {  	s23 =	rddreg [dreg:$0x4]  }
0x25: {  	[tilespmem:s2], [sflag:$0x6] =	stream.linear.gather [hbm4b:s23+s2], $0x1000, $0x38;
	[tilespmem:$0x13000] =	vst v63  }
0x26: {  	_ =	swait.ge [sflag:s12], $0x1000  }
0x27: {  	[sflag:s12] =	ssyncset.done $0x0  }
0x28: {  	s24 =	simm.s32 $0x1000;
	s26 =	rddreg [dreg:$0x5];
	[sflag:s12] =	ssyncadd.s32 $0xFFFFF000  }
0x29: {  	[tilespmem:s24], [sflag:$0x6] =	stream.linear.gather [hbm4b:s26+s2], $0x1000, $0x38;
	[tilespmem:$0x13000] =	vst v63  }
0x2a: {  	_ =	swait.ge [sflag:s12], $0x1000  }
0x2b: {  	[sflag:s12] =	ssyncset.done $0x0  }
.Ltmp0:
0x2c: {  	s28 =	rddreg [dreg:$0x6];
	[sflag:s12] =	ssyncadd.s32 $0xFFFFF000;
	(pc) =	sbr.rel .LBB2_2-.Ltmp0, $4  }
0x2d: {  	[tilespmem:s13], [sflag:$0x6] =	stream.linear.gather [hbm4b:s28+s2], $0x1000, $0x38;
	[tilespmem:$0x13000] =	vst v63  }
0x2e: {  	_ =	swait.ge [sflag:s12], $0x1000  }
0x2f: {  	[sflag:s12] =	ssyncset.done $0x0  }
0x30: {  	s23 =	simm.s32 $0x0;
	s24 =	simm.s32 $0x0;
	[sflag:s12] =	ssyncadd.s32 $0xFFFFF000  }
.LBB2_5:
0x31: {  	p0 =	seq.s32 s24, $0x7  }
0x32: {  	s25 =	simm.s32 @p0 $0x2000  }
0x33: {  	s26 =	simm.s32 @p0 $0x3000;
	s28 =	simm.s32 @p0 $0xB000;
	p1 =	seq.s32 @!p0 s24, $0xF  }
0x34: {  	[tilespmem:s28], [sflag:$0x1] =	stream.indirect.gather @p0 [hbm4b:s1+s25], $0x1, s26, s25, $0xb8;
	[tilespmem:$0x13000] =	vst v63  }
0x35: {  	p0 =	por !p1, p0  }
0x36: {  	s25 =	simm.s32 @!p0 $0x2000;
	s26 =	simm.s32 @!p0 $0x5000;
	s28 =	simm.s32 @!p0 $0xD000  }
0x37: {  	[tilespmem:s28], [sflag:$0x2] =	stream.indirect.gather @!p0 [hbm4b:s1+s25], $0x1, s26, s25, $0xb8;
	[tilespmem:$0x13000] =	vst v63  }
.LBB2_11:
0x38: {  	s24 =	sadd.s32 $0x1, s24;
	s23 =	sadd.s32 $0x1, s23  }
.LBB2_2:
0x39: {  	s25 =	sshll.u32 s24, $0x4;
	s26 =	sshll.u32 s24, $0x7  }
0x3a: {  	s25 =	sand.u32 $0x70, s25;
	s26 =	sand.u32 $0x3FFFFC00, s26  }
0x3b: {  	s25 =	sor.u32 s25, s26  }
0x3c: {  	v1 =	vld [tilespmem:s25+$0x0]  }
0x3d: {  	v2 =	vld [tilespmem:s25+$0x80]  }
0x3e: {  	v3 =	vld [tilespmem:s25+$0x100]  }
0x3f: {  	v4 =	vld [tilespmem:s25+$0x180]  }
0x40: {  	v5 =	vld [tilespmem:s25+$0x200]  }
0x41: {  	v6 =	vld [tilespmem:s25+$0x280]  }
0x42: {  	vm0 =	vgt.f32 v1, $0.0e+00;
	vm1 =	vgt.f32 v2, $0.0e+00;
	v1 =	vld [tilespmem:s25+$0x300]  }
0x43: {  	vm10 =	vgt.f32 v3, $0.0e+00;
	v3 =	vld [tilespmem:s25+$0x380];
	v2 =	vsel vm0, $0x1, v0;
	v7 =	vsel vm1, $0x2, v0  }
0x44: {  	vm11 =	vgt.f32 v4, $0.0e+00;
	v4 =	vld [tilespmem:s25+$0x1000];
	v47 =	vsel vm10, $0x4, v0;
	v2 =	vor.u32 v2, v7  }
0x45: {  	vm12 =	vgt.f32 v5, $0.0e+00;
	v5 =	vld [tilespmem:s25+$0x1080];
	v48 =	vsel vm11, $0x8, v0;
	v2 =	vor.u32 v47, v2  }
0x46: {  	v50 =	vld [tilespmem:s25+$0x1100];
	vm13 =	vgt.f32 v6, $0.0e+00;
	v49 =	vsel vm12, $0x10, v0;
	v2 =	vor.u32 v48, v2  }
0x47: {  	v51 =	vsel vm13, $0x20, v0;
	v2 =	vor.u32 v49, v2;
	vm14 =	vgt.f32 v1, $0.0e+00;
	v1 =	vld [tilespmem:s25+$0x1180]  }
0x48: {  	vm15 =	vgt.f32 v3, $0.0e+00;
	v3 =	vld [tilespmem:s25+$0x1200];
	v2 =	vor.u32 v51, v2;
	v52 =	vsel vm14, $0x40, v0  }
0x49: {  	vm4 =	vgt.f32 v4, $0.0e+00;
	v4 =	vld [tilespmem:s25+$0x1280];
	v53 =	vsel vm15, $0x80, v0;
	v2 =	vor.u32 v52, v2  }
0x4a: {  	vm5 =	vgt.f32 v5, $0.0e+00;
	v5 =	vld [tilespmem:s25+$0x1300];
	v8 =	vsel vm4, $0x100, v0;
	v7 =	vadd.s32 v53, v2  }
0x4b: {  	v55 =	vld [tilespmem:s25+$0x1380];
	vm6 =	vgt.f32 v50, $0.0e+00;
	v54 =	vsel vm5, $0x200, v0;
	v7 =	vadd.s32 v8, v7  }
0x4c: {  	v56 =	vsel vm6, $0x400, v0;
	v7 =	vadd.s32 v54, v7;
	vm7 =	vgt.f32 v1, $0.0e+00;
	v1 =	vld [tilespmem:s25+$0x2000]  }
0x4d: {  	vm8 =	vgt.f32 v3, $0.0e+00;
	v3 =	vld [tilespmem:s25+$0x2080];
	v7 =	vadd.s32 v56, v7;
	v57 =	vsel vm7, $0x800, v0  }
0x4e: {  	vm9 =	vgt.f32 v4, $0.0e+00;
	v4 =	vld [tilespmem:s25+$0x2100];
	v58 =	vsel vm8, $0x1000, v0;
	v7 =	vadd.s32 v57, v7  }
0x4f: {  	vm10 =	vgt.f32 v5, $0.0e+00;
	v5 =	vld [tilespmem:s25+$0x2180];
	v59 =	vsel vm9, $0x2000, v0;
	v7 =	vadd.s32 v58, v7  }
0x50: {  	vm11 =	vgt.f32 v55, $0.0e+00;
	v60 =	vsel vm10, $0x4000, v0;
	v7 =	vadd.s32 v59, v7  }
0x51: {  	v62 =	vsel vm11, $0x8000, v0;
	v61 =	vadd.s32 v60, v7;
	vm12 =	vgt.f32 v1, $0.0e+00  }
0x52: {  	vm13 =	vgt.f32 v3, $0.0e+00;
	v1 =	vadd.s32 v62, v61;
	v63 =	vsel vm12, $0x10000, v0  }
0x53: {  	vm14 =	vgt.f32 v4, $0.0e+00;
	v3 =	vsel vm13, $0x20000, v0;
	v1 =	vadd.s32 v63, v1  }
0x54: {  	vm15 =	vgt.f32 v5, $0.0e+00;
	v1 =	vadd.s32 v3, v1;
	v3 =	vsel vm14, $0x40000, v0  }
0x55: {  	v1 =	vadd.s32 v3, v1;
	v3 =	vsel vm15, $0x80000, v0  }
0x56: {  	v1 =	vadd.s32 v3, v1  }
0x57: {  	s28 =	sand.u32 $0x7, s23;
	s26 =	sshll.u32 s24, $0xC;
	v1 =	vshll.u32 v1, $0x3  }
0x58: {  	s25 =	sand.u32 $0xFFFF8000, s26;
	s26 =	sshll.u32 s28, $0x6;
	v1 =	vand.u32 $0x7FFFFC00, v1  }
0x59: {  	s28 =	simm.s32 $0x0;
	s25 =	sor.u32 s26, s25;
	v1 =	vor.u32 v2, v1  }
0x5a: {  	s25 =	sshrl.u32 s25, $0x2;
	v2 =	vadd.s32 s28, v1  }
0x5b: {  	s25 =	sadd.s32 $0x3200, s25;
	v3 =	vor.u32 $0x380, v2  }
0x5c: {  	v4 =	vor.u32 $0x80, v2;
	[tilespmem:s25+$0x180] =	vst v3  }
0x5d: {  	v5 =	vor.u32 $0x300, v2;
	[tilespmem:s25+$0xFFFFFE80] =	vst v4  }
0x5e: {  	v3 =	vor.u32 $0x100, v2;
	[tilespmem:s25+$0x100] =	vst v5  }
0x5f: {  	v4 =	vor.u32 $0x180, v2;
	[tilespmem:s25+$0xFFFFFF00] =	vst v3  }
0x60: {  	v3 =	vor.u32 $0x200, v2;
	[tilespmem:s25+$0xFFFFFF80] =	vst v4  }
0x61: {  	s28 =	simm.s32 $0x800000;
	v4 =	vor.u32 $0x280, v2;
	[tilespmem:s25+$0x0] =	vst v3  }
0x62: {  	s26 =	simm.s32 $0x1000000;
	[tilespmem:s25+$0x80] =	vst v4;
	v3 =	vadd.s32 s28, v1  }
.LBB2_3:
0x63: {  	p0 =	sne.s32 s26, $0x3800000;
	v4 =	vor.u32 $0x80, v3;
	v5 =	vor.u32 $0x100, v3;
	v6 =	vor.u32 $0x380, v3;
	[tilespmem:s25+$0xFFFFFE00] =	vst v2;
	s25 =	sadd.s32 $0x400, s25;
	v2 =	vmovc v3  }
0x64: {  	v3 =	vor.u32 $0x180, v2;
	v7 =	vor.u32 $0x200, v2;
	v8 =	vor.u32 $0x280, v2;
	[tilespmem:s25+$0x180] =	vst v6  }
0x65: {  	[tilespmem:s25+$0xFFFFFE80] =	vst v4;
	v4 =	vor.u32 $0x300, v2  }
.Ltmp1:
0x66: {  	[tilespmem:s25+$0xFFFFFF00] =	vst v5;
	(pc) =	sbr.rel @p0 .LBB2_3-.Ltmp1, $4  }
0x67: {  	[tilespmem:s25+$0xFFFFFF80] =	vst v3  }
0x68: {  	[tilespmem:s25+$0x0] =	vst v7  }
0x69: {  	[tilespmem:s25+$0x80] =	vst v8  }
0x6a: {  	v3 =	vadd.s32 s26, v1;
	s26 =	sadd.s32 $0x800000, s26;
	[tilespmem:s25+$0x100] =	vst v4  }
0x6b: {  	v1 =	vor.u32 $0x380, v3;
	[tilespmem:s25+$0xFFFFFE00] =	vst v2;
	s28 =	sadd.s32 $0x400, s25  }
0x6c: {  	v2 =	vor.u32 $0x80, v3;
	[tilespmem:s28+$0x180] =	vst v1  }
0x6d: {  	[tilespmem:s28+$0xFFFFFE80] =	vst v2  }
0x6e: {  	p0 =	sgt.s32 s24, $0x16;
	v1 =	vor.u32 $0x100, v3;
	[tilespmem:s28+$0xFFFFFE00] =	vst v3  }
.Ltmp2:
0x6f: {  	v2 =	vor.u32 $0x180, v3;
	[tilespmem:s28+$0xFFFFFF00] =	vst v1;
	(pc) =	sbr.rel @!p0 .LBB2_5-.Ltmp2, $4  }
0x70: {  	v1 =	vor.u32 $0x200, v3;
	[tilespmem:s28+$0xFFFFFF80] =	vst v2  }
0x71: {  	v2 =	vor.u32 $0x280, v3;
	[tilespmem:s28+$0x0] =	vst v1  }
0x72: {  	v1 =	vor.u32 $0x300, v3;
	[tilespmem:s28+$0x80] =	vst v2  }
0x73: {  	[tilespmem:s28+$0x100] =	vst v1  }
0x74: {  	p0 =	seq.s32 s24, $0x17  }
.Ltmp3:
0x75: {  	_ = 	snop;
	(pc) =	sbr.rel @!p0 .LBB2_7-.Ltmp3, $1  }
0x76: {  	_ =	sdelay $0x3  }
.Ltmp4:
0x77: {  	(pc) =	sbr.rel .LBB2_11-.Ltmp4, $2  }
0x78: {  	_ =	sdelay $0x2  }
0x79: {  	[tilespmem:s15], [sflag:$0x3] =	stream.indirect.gather [hbm4b:s1+s13], $0x1, s14, s13, $0xb8;
	[tilespmem:$0x13000] =	vst v63  }
.LBB2_7:
0x7a: {  	p0 =	seq.s32 s24, $0x1F  }
.Ltmp5:
0x7b: {  	_ = 	snop;
	(pc) =	sbr.rel @!p0 .LBB2_11-.Ltmp5, $1  }
0x7c: {  	_ =	sdelay $0x3  }
0x7d: {  	s23 =	simm.s32 $0x9000  }
0x7e: {  	[tilespmem:s16], [sflag:$0x4] =	stream.indirect.gather [hbm4b:s1+s13], $0x1, s23, s13, $0xb8;
	[tilespmem:$0x13000] =	vst v63  }
0x7f: {  	_ =	swait.ge [sflag:s17], $0x2000  }
0x80: {  	[sflag:s17] =	ssyncset.done $0x0  }
0x81: {  	s26 =	simm.s32 $0xB000;
	[sflag:s17] =	ssyncadd.s32 $0xFFFFE000  }
0x82: {  	[hbm4b:s7+s2] =	stream.linear.scatter [tilespmem:s26], [sflag:$0x5], $0x400, $0x38;
	[tilespmem:$0x13000] =	vst v63  }
0x83: {  	s24 =	simm.s32 $0xB400;
	s28 =	rddreg [dreg:$0x7]  }
0x84: {  	[hbm4b:s28+s2] =	stream.linear.scatter [tilespmem:s24], [sflag:$0x5], $0x400, $0x38;
	[tilespmem:$0x13000] =	vst v63  }
0x85: {  	s25 =	simm.s32 $0xB800;
	s24 =	rddreg [dreg:$0x8]  }
0x86: {  	[hbm4b:s24+s2] =	stream.linear.scatter [tilespmem:s25], [sflag:$0x5], $0x400, $0x38;
	[tilespmem:$0x13000] =	vst v63  }
0x87: {  	s26 =	rddreg [dreg:$0x9];
	s28 =	simm.s32 $0xBC00  }
0x88: {  	[hbm4b:s26+s2] =	stream.linear.scatter [tilespmem:s28], [sflag:$0x5], $0x400, $0x38;
	[tilespmem:$0x13000] =	vst v63  }
0x89: {  	s24 =	rddreg [dreg:$0xa];
	s25 =	simm.s32 $0xC000  }
0x8a: {  	[hbm4b:s24+s2] =	stream.linear.scatter [tilespmem:s25], [sflag:$0x5], $0x400, $0x38;
	[tilespmem:$0x13000] =	vst v63  }
0x8b: {  	s26 =	rddreg [dreg:$0xb];
	s28 =	simm.s32 $0xC400  }
0x8c: {  	[hbm4b:s26+s2] =	stream.linear.scatter [tilespmem:s28], [sflag:$0x5], $0x400, $0x38;
	[tilespmem:$0x13000] =	vst v63  }
0x8d: {  	s24 =	rddreg [dreg:$0xc];
	s25 =	simm.s32 $0xC800  }
0x8e: {  	[hbm4b:s24+s2] =	stream.linear.scatter [tilespmem:s25], [sflag:$0x5], $0x400, $0x38;
	[tilespmem:$0x13000] =	vst v63  }
0x8f: {  	s26 =	rddreg [dreg:$0xd];
	s28 =	simm.s32 $0xCC00  }
0x90: {  	[hbm4b:s26+s2] =	stream.linear.scatter [tilespmem:s28], [sflag:$0x5], $0x400, $0x38;
	[tilespmem:$0x13000] =	vst v63  }
0x91: {  	_ =	swait.ge [sflag:s18], $0x2000  }
0x92: {  	[sflag:s18] =	ssyncset.done $0x0  }
0x93: {  	s25 =	simm.s32 $0xD000;
	s24 =	rddreg [dreg:$0xe];
	[sflag:s18] =	ssyncadd.s32 $0xFFFFE000  }
0x94: {  	[hbm4b:s24+s2] =	stream.linear.scatter [tilespmem:s25], [sflag:$0x5], $0x400, $0x38;
	[tilespmem:$0x13000] =	vst v63  }
0x95: {  	s28 =	simm.s32 $0xD400;
	s26 =	rddreg [dreg:$0xf]  }
0x96: {  	[hbm4b:s26+s2] =	stream.linear.scatter [tilespmem:s28], [sflag:$0x5], $0x400, $0x38;
	[tilespmem:$0x13000] =	vst v63  }
0x97: {  	s24 =	rddreg [dreg:$0x10];
	s25 =	simm.s32 $0xD800  }
0x98: {  	[hbm4b:s24+s2] =	stream.linear.scatter [tilespmem:s25], [sflag:$0x5], $0x400, $0x38;
	[tilespmem:$0x13000] =	vst v63  }
0x99: {  	s26 =	rddreg [dreg:$0x11];
	s28 =	simm.s32 $0xDC00  }
0x9a: {  	[hbm4b:s26+s2] =	stream.linear.scatter [tilespmem:s28], [sflag:$0x5], $0x400, $0x38;
	[tilespmem:$0x13000] =	vst v63  }
0x9b: {  	s24 =	rddreg [dreg:$0x12];
	s25 =	simm.s32 $0xE000  }
0x9c: {  	[hbm4b:s24+s2] =	stream.linear.scatter [tilespmem:s25], [sflag:$0x5], $0x400, $0x38;
	[tilespmem:$0x13000] =	vst v63  }
0x9d: {  	s26 =	rddreg [dreg:$0x13];
	s28 =	simm.s32 $0xE400  }
0x9e: {  	[hbm4b:s26+s2] =	stream.linear.scatter [tilespmem:s28], [sflag:$0x5], $0x400, $0x38;
	[tilespmem:$0x13000] =	vst v63  }
0x9f: {  	s24 =	rddreg [dreg:$0x14];
	s25 =	simm.s32 $0xE800  }
0xa0: {  	[hbm4b:s24+s2] =	stream.linear.scatter [tilespmem:s25], [sflag:$0x5], $0x400, $0x38;
	[tilespmem:$0x13000] =	vst v63  }
0xa1: {  	s26 =	rddreg [dreg:$0x15];
	s28 =	simm.s32 $0xEC00  }
0xa2: {  	[hbm4b:s26+s2] =	stream.linear.scatter [tilespmem:s28], [sflag:$0x5], $0x400, $0x38;
	[tilespmem:$0x13000] =	vst v63  }
0xa3: {  	_ =	swait.ge [sflag:s19], $0x2000  }
0xa4: {  	[sflag:s19] =	ssyncset.done $0x0  }
0xa5: {  	s25 =	rddreg [dreg:$0x16];
	[sflag:s19] =	ssyncadd.s32 $0xFFFFE000  }
0xa6: {  	[hbm4b:s25+s2] =	stream.linear.scatter [tilespmem:s15], [sflag:$0x5], $0x400, $0x38;
	[tilespmem:$0x13000] =	vst v63  }
0xa7: {  	s28 =	simm.s32 $0xF400;
	s26 =	rddreg [dreg:$0x17]  }
0xa8: {  	[hbm4b:s26+s2] =	stream.linear.scatter [tilespmem:s28], [sflag:$0x5], $0x400, $0x38;
	[tilespmem:$0x13000] =	vst v63  }
0xa9: {  	s24 =	rddreg [dreg:$0x19];
	s25 =	simm.s32 $0xF800  }
0xaa: {  	[hbm4b:s24+s2] =	stream.linear.scatter [tilespmem:s25], [sflag:$0x5], $0x400, $0x38;
	[tilespmem:$0x13000] =	vst v63  }
0xab: {  	s26 =	rddreg [dreg:$0x1a];
	s28 =	simm.s32 $0xFC00  }
0xac: {  	[hbm4b:s26+s2] =	stream.linear.scatter [tilespmem:s28], [sflag:$0x5], $0x400, $0x38;
	[tilespmem:$0x13000] =	vst v63  }
0xad: {  	s24 =	simm.s32 $0x10000  }
0xae: {  	[hbm4b:s29+s2] =	stream.linear.scatter [tilespmem:s24], [sflag:$0x5], $0x400, $0x38;
	[tilespmem:$0x13000] =	vst v63  }
0xaf: {  	s25 =	simm.s32 $0x10400  }
0xb0: {  	[hbm4b:s30+s2] =	stream.linear.scatter [tilespmem:s25], [sflag:$0x5], $0x400, $0x38;
	[tilespmem:$0x13000] =	vst v63  }
0xb1: {  	s26 =	simm.s32 $0x10800  }
0xb2: {  	[hbm4b:s31+s2] =	stream.linear.scatter [tilespmem:s26], [sflag:$0x5], $0x400, $0x38;
	[tilespmem:$0x13000] =	vst v63  }
0xb3: {  	s28 =	simm.s32 $0x10C00  }
0xb4: {  	[hbm4b:s0+s2] =	stream.linear.scatter [tilespmem:s28], [sflag:$0x5], $0x400, $0x38;
	[tilespmem:$0x13000] =	vst v63  }
0xb5: {  	_ =	swait.ge [sflag:s20], $0x2000  }
0xb6: {  	[sflag:s20] =	ssyncset.done $0x0  }
0xb7: {  	[sflag:s20] =	ssyncadd.s32 $0xFFFFE000  }
0xb8: {  	[hbm4b:s3+s2] =	stream.linear.scatter [tilespmem:s16], [sflag:$0x5], $0x400, $0x38;
	[tilespmem:$0x13000] =	vst v63  }
0xb9: {  	s24 =	simm.s32 $0x11400  }
0xba: {  	[hbm4b:s4+s2] =	stream.linear.scatter [tilespmem:s24], [sflag:$0x5], $0x400, $0x38;
	[tilespmem:$0x13000] =	vst v63  }
0xbb: {  	s25 =	simm.s32 $0x11800  }
0xbc: {  	[hbm4b:s5+s2] =	stream.linear.scatter [tilespmem:s25], [sflag:$0x5], $0x400, $0x38;
	[tilespmem:$0x13000] =	vst v63  }
0xbd: {  	s26 =	simm.s32 $0x11C00  }
0xbe: {  	[hbm4b:s6+s2] =	stream.linear.scatter [tilespmem:s26], [sflag:$0x5], $0x400, $0x38;
	[tilespmem:$0x13000] =	vst v63  }
0xbf: {  	s28 =	simm.s32 $0x12000  }
0xc0: {  	[hbm4b:s8+s2] =	stream.linear.scatter [tilespmem:s28], [sflag:$0x5], $0x400, $0x38;
	[tilespmem:$0x13000] =	vst v63  }
0xc1: {  	s24 =	simm.s32 $0x12400  }
0xc2: {  	[hbm4b:s9+s2] =	stream.linear.scatter [tilespmem:s24], [sflag:$0x5], $0x400, $0x38;
	[tilespmem:$0x13000] =	vst v63  }
0xc3: {  	s25 =	simm.s32 $0x12800  }
0xc4: {  	[hbm4b:s10+s2] =	stream.linear.scatter [tilespmem:s25], [sflag:$0x5], $0x400, $0x38;
	[tilespmem:$0x13000] =	vst v63  }
0xc5: {  	s26 =	simm.s32 $0x12C00  }
0xc6: {  	[hbm4b:s11+s2] =	stream.linear.scatter [tilespmem:s26], [sflag:$0x5], $0x400, $0x38;
	[tilespmem:$0x13000] =	vst v63  }
0xc7: {  	_ =	swait.ge [sflag:s21], $0x8000  }
0xc8: {  	s22 =	sadd.s32 $0x1, s22;
	s28 =	rddreg [dreg:$0x18]  }
0xc9: {  	p0 =	sne.s32 s22, s28  }
.Ltmp6:
0xca: {  	_ = 	snop;
	(pc) =	sbr.rel @p0 .LBB2_1-.Ltmp6, $3  }
0xcb: {  	_ =	sdelay $0x1  }
0xcc: {  	[sflag:s21] =	ssyncset.done $0x0  }
0xcd: {  	[sflag:s21] =	ssyncadd.s32 $0xFFFF8000  }
0xce: {  	_ =	sfence.sel $0x180000  }
0xcf: {  	[bflag:$0x0] =	sbarrier.arrive $0xFFFF  }
0xd0: {  	_ =	strace $0x90000047  }
0xd1: {  	s0 =	stileid.u32;
	[bflag:$0x2] =	sbarrier.arrive $0xFFFF  }
0xd2: {  	p0 =	sne.s32 s0, $0x0;
	s0 =	rddreg [dreg:$0x3]  }
0xd3: {  	s0 =	sadd.s32 @!p0 $0x100000, s0  }
0xd4: {  	[sflag:s0] =	ssyncadd.tile.s32 @!p0 $0x1;
	_ =	shalt  }
.Lfunc_end2:
_tile_overlayer_lowered:
.L_overlay_start_2:
0xd5: {  	(tag) =	ssettag $0x2  }
0xd6: {  	s0 =	rddreg [dreg:$0x0];
	s2 =	stileid.u32  }
0xd7: {  	s1 =	rddreg [dreg:$0x1];
	p0 =	sne.s32 s2, $0x0  }
0xd8: {  	s3 =	rddreg [dreg:$0x2];
	[bflag:$0x3] =	sbarrier.arrive $0xFFFF;
	s2 =	simm.s32 @!p0 $0x1C06  }
0xd9: {  	[timem:s3], [sflag:s2] =	dma.local @!p0 [hbm:s0], s1  }
0xda: {  	s0 =	simm.s32 @!p0 $0x6  }
0xdb: {  	_ =	swait.ge @!p0 [sflag:s0], s1  }
0xdc: {  	s1 =	ssub.s32 @!p0 $0x0, s1;
	[sflag:s0] =	ssyncset.done @!p0 $0x0  }
0xdd: {  	[sflag:s0] =	ssyncadd.s32 @!p0 s1  }
0xde: {  	[bflag:$0x3] =	sbarrier.arrive $0xFFFF  }
0xdf: {  	_ =	shalt  }

</sc_bundles>
